<compile_context>
chip_gen: v7x
topology: tpu7x:2x2x1
jax: 0.10.2.dev20260603
libtpu: 0.0.44.dev20260713+nightly
codegen_flags: <defaults>
</compile_context>

<pallas_src>
import functools

import jax
import jax.numpy as jnp
from jax import lax
from jax.experimental import pallas as pl
from jax.experimental.pallas import tpu as pltpu
from jax.experimental.pallas import tpu_sc as plsc

_INFO = plsc.get_sparse_core_info()
_NC, _NS = _INFO.num_cores, _INFO.num_subcores
_NW = _NC * _NS

_CHUNK = 200
_NBUF = 4
_DP = 128


def _pad_table(table, dp):
  V, D = table.shape
  blk = 10000
  assert V % blk == 0

  def body(t_ref, o_ref):
    o_ref[:, :D] = t_ref[...]

  return pl.pallas_call(
      body,
      grid=(V // blk,),
      in_specs=[pl.BlockSpec((blk, D), lambda i: (i, 0))],
      out_specs=pl.BlockSpec((blk, dp), lambda i: (i, 0)),
      out_shape=jax.ShapeDtypeStruct((V, dp), jnp.float32),
  )(table)


def _make_gather(V: int, B: int):
  assert B % (_NW * _NBUF * _CHUNK) == 0
  b_per_w = B // _NW
  n_chunks = b_per_w // _CHUNK
  n_rounds = n_chunks // _NBUF
  mesh = plsc.VectorSubcoreMesh(core_axis_name="c", subcore_axis_name="s")

  @functools.partial(
      pl.kernel,
      mesh=mesh,
      out_type=jax.ShapeDtypeStruct((B, _DP), jnp.float32),
      scratch_types=[
          pltpu.VMEM((b_per_w,), jnp.int32),
      ] + [pltpu.VMEM((_CHUNK, _DP), jnp.float32)] * _NBUF
        + [pltpu.SemaphoreType.DMA] * (2 * _NBUF),
  )
  def gather_kernel(table_hbm, idx_hbm, out_hbm, idx_all, *bufs):
    rows = bufs[:_NBUF]
    gsem = bufs[_NBUF:2 * _NBUF]
    ssem = bufs[2 * _NBUF:]
    wid = lax.axis_index("s") * _NC + lax.axis_index("c")
    base = wid * b_per_w

    pltpu.sync_copy(idx_hbm.at[pl.ds(base, b_per_w)], idx_all)

    def gather_start(g, b):
      pltpu.async_copy(
          table_hbm.at[idx_all.at[pl.ds(g * _CHUNK, _CHUNK)]], rows[b], gsem[b]
      )

    def store_start(g, b):
      pltpu.async_copy(
          rows[b], out_hbm.at[pl.ds(base + g * _CHUNK, _CHUNK)], ssem[b]
      )

    def gather_wait(b):
      pltpu.make_async_copy(
          table_hbm.at[pl.ds(0, _CHUNK)], rows[b], gsem[b]
      ).wait()

    def store_wait(b):
      pltpu.make_async_copy(
          rows[b], out_hbm.at[pl.ds(base, _CHUNK)], ssem[b]
      ).wait()

    gather_start(0, 0)
    gather_start(1, 1)
    for g in range(2, _NBUF):
      gather_start(g, g)
      gather_wait(g - 2)
      store_start(g - 2, g - 2)

    def round_body(r, carry):
      g0 = _NBUF * r
      for j in range(_NBUF):
        b = j
        store_wait(b)
        gather_start(g0 + j, b)
        b2 = (j - 2) % _NBUF
        gather_wait(b2)
        store_start(g0 + j - 2, b2)
      return carry

    lax.fori_loop(1, n_rounds, round_body, 0)

    for g in (n_chunks - 2, n_chunks - 1):
      b = g % _NBUF
      gather_wait(b)
      store_start(g, b)
    for b in range(_NBUF):
      store_wait(b)

  return gather_kernel


def kernel(tokens, table):
  Bq, S = tokens.shape
  V, D = table.shape
  idx = tokens.reshape(-1).astype(jnp.int32)
  table_p = _pad_table(table, _DP)
  out = _make_gather(V, Bq * S)(table_p, idx)
  return out[:, :D].reshape(Bq, S, D)

# --- scband reference (transcript-rebuilt; emitter-appended) ---
"""Pipeline reference for scband-cehr-gpt-embedding-6141803233832 (READ-ONLY COPY).

The authoritative reference and input builder live on the scoring server;
editing this copy changes nothing except your own understanding.
"""

import jax, jax.numpy as jnp
import numpy as np


def setup_inputs(seed: int = 0) -> dict:
    key = jax.random.key(seed)
    k1, k2 = jax.random.split(key)
    tokens = jax.random.randint(k1, (4096, 200), 0, 100000, dtype=jnp.int64)
    # embedding_layer weight: nn.Embedding(100000, 96), default init N(0,1)
    table = jax.random.normal(k2, (100000, 96), dtype=jnp.float32)
    return {"tokens": tokens, "table": table}


def reference(tokens, table):
    # CehrGptEmbedding.forward: self.embedding_layer(tokens)
    return jnp.take(table, tokens, axis=0)

if __name__ == "__main__":
    import jax
    _d = setup_inputs()
    print(jax.jit(kernel)(*tuple(_d.values())))

</pallas_src>

<mosaic_0001>
#map = affine_map<(d0, d1) -> (0, 0)>
#map1 = affine_map<(d0, d1) -> (0)>
module attributes {stable_mosaic.version = 14 : i64} {
  func.func @gather_kernel(%arg0: i32, %arg1: i32, %arg2: memref<100000x128xf32, #tpu.memory_space<hbm>>, %arg3: memref<819200xi32, #tpu.memory_space<hbm>>, %arg4: memref<819200x128xf32, #tpu.memory_space<hbm>>, %arg5: memref<25600xi32, #tpu.memory_space<vmem>>, %arg6: memref<200x128xf32, #tpu.memory_space<vmem>>, %arg7: memref<200x128xf32, #tpu.memory_space<vmem>>, %arg8: memref<200x128xf32, #tpu.memory_space<vmem>>, %arg9: memref<200x128xf32, #tpu.memory_space<vmem>>, %arg10: memref<!tpu.dma_semaphore, #tpu.memory_space<semaphore_mem>>, %arg11: memref<!tpu.dma_semaphore, #tpu.memory_space<semaphore_mem>>, %arg12: memref<!tpu.dma_semaphore, #tpu.memory_space<semaphore_mem>>, %arg13: memref<!tpu.dma_semaphore, #tpu.memory_space<semaphore_mem>>, %arg14: memref<!tpu.dma_semaphore, #tpu.memory_space<semaphore_mem>>, %arg15: memref<!tpu.dma_semaphore, #tpu.memory_space<semaphore_mem>>, %arg16: memref<!tpu.dma_semaphore, #tpu.memory_space<semaphore_mem>>, %arg17: memref<!tpu.dma_semaphore, #tpu.memory_space<semaphore_mem>>) attributes {dimension_semantics = [#tpu.dimension_semantics<core_parallel>, #tpu.dimension_semantics<subcore_parallel>], iteration_bounds = array<i64: 2, 16>, scalar_prefetch = 0 : i64, scratch_operands = 13 : i64, tpu.core_type = #tpu.core_type<sc_vector_subcore>, window_params = [{transform_indices = #map}, {transform_indices = #map1}, {transform_indices = #map}]} {
    %mul3A = arith.constant 2 : i32
    %mul3A_0 = arith.muli %arg1, %mul3A : i32
    %add3A = arith.addi %mul3A_0, %arg0 : i32
    %mul3A_1 = arith.constant 25600 : i32
    %mul3A_2 = arith.muli %add3A, %mul3A_1 : i32
    "tpu.region"() ({
      %run_scoped3A = tpu.sem_alloc : memref<!tpu.dma_semaphore, #tpu.memory_space<semaphore_mem>>
      %dma_start3A_90 = tpu.memref_slice %arg3[%mul3A_2] : memref<819200xi32, #tpu.memory_space<hbm>> -> memref<25600xi32, #tpu.memory_space<hbm>>
      %dma_start3A_91 = tpu.memref_slice %arg3[%mul3A_2] : memref<819200xi32, #tpu.memory_space<hbm>> -> memref<25600xi32, #tpu.memory_space<hbm>>
      tpu.enqueue_dma source(%dma_start3A_91 : memref<25600xi32, #tpu.memory_space<hbm>>) target(%arg5 : memref<25600xi32, #tpu.memory_space<vmem>>) target_semaphore(%run_scoped3A : memref<!tpu.dma_semaphore, #tpu.memory_space<semaphore_mem>>)
      %dma_wait3A_92 = tpu.memref_slice %arg3[%mul3A_2] : memref<819200xi32, #tpu.memory_space<hbm>> -> memref<25600xi32, #tpu.memory_space<hbm>>
      %dma_wait3A_93 = tpu.memref_slice %arg3[%mul3A_2] : memref<819200xi32, #tpu.memory_space<hbm>> -> memref<25600xi32, #tpu.memory_space<hbm>>
      tpu.wait_dma2 semaphore(%run_scoped3A : memref<!tpu.dma_semaphore, #tpu.memory_space<semaphore_mem>>) src(%dma_wait3A_93 : memref<25600xi32, #tpu.memory_space<hbm>>) dst(%arg5 : memref<25600xi32, #tpu.memory_space<vmem>>)
      tpu.yield
    }) : () -> ()
    %dma_start3A = arith.constant 0 : i32
    %dma_start3A_3 = tpu.memref_slice %arg5[%dma_start3A] : memref<25600xi32, #tpu.memory_space<vmem>> -> memref<200xi32, #tpu.memory_space<vmem>>
    %dma_start3A_4 = arith.constant 0 : i32
    %dma_start3A_5 = arith.constant 0 : i32
    %dma_start3A_6 = tpu.memref_slice %arg2[%dma_start3A_4, %dma_start3A_5] : memref<100000x128xf32, #tpu.memory_space<hbm>> -> memref<100000x128xf32, #tpu.memory_space<hbm>>
    tpu.enqueue_indirect_dma source(%dma_start3A_6 : memref<100000x128xf32, #tpu.memory_space<hbm>>) target(%arg6 : memref<200x128xf32, #tpu.memory_space<vmem>>) offsets(%dma_start3A_3 : memref<200xi32, #tpu.memory_space<vmem>>) semaphore(%arg10 : memref<!tpu.dma_semaphore, #tpu.memory_space<semaphore_mem>>)
    %dma_start3A_7 = arith.constant 200 : i32
    %dma_start3A_8 = tpu.memref_slice %arg5[%dma_start3A_7] : memref<25600xi32, #tpu.memory_space<vmem>> -> memref<200xi32, #tpu.memory_space<vmem>>
    %dma_start3A_9 = arith.constant 0 : i32
    %dma_start3A_10 = arith.constant 0 : i32
    %dma_start3A_11 = tpu.memref_slice %arg2[%dma_start3A_9, %dma_start3A_10] : memref<100000x128xf32, #tpu.memory_space<hbm>> -> memref<100000x128xf32, #tpu.memory_space<hbm>>
    tpu.enqueue_indirect_dma source(%dma_start3A_11 : memref<100000x128xf32, #tpu.memory_space<hbm>>) target(%arg7 : memref<200x128xf32, #tpu.memory_space<vmem>>) offsets(%dma_start3A_8 : memref<200xi32, #tpu.memory_space<vmem>>) semaphore(%arg11 : memref<!tpu.dma_semaphore, #tpu.memory_space<semaphore_mem>>)
    %dma_start3A_12 = arith.constant 400 : i32
    %dma_start3A_13 = tpu.memref_slice %arg5[%dma_start3A_12] : memref<25600xi32, #tpu.memory_space<vmem>> -> memref<200xi32, #tpu.memory_space<vmem>>
    %dma_start3A_14 = arith.constant 0 : i32
    %dma_start3A_15 = arith.constant 0 : i32
    %dma_start3A_16 = tpu.memref_slice %arg2[%dma_start3A_14, %dma_start3A_15] : memref<100000x128xf32, #tpu.memory_space<hbm>> -> memref<100000x128xf32, #tpu.memory_space<hbm>>
    tpu.enqueue_indirect_dma source(%dma_start3A_16 : memref<100000x128xf32, #tpu.memory_space<hbm>>) target(%arg8 : memref<200x128xf32, #tpu.memory_space<vmem>>) offsets(%dma_start3A_13 : memref<200xi32, #tpu.memory_space<vmem>>) semaphore(%arg12 : memref<!tpu.dma_semaphore, #tpu.memory_space<semaphore_mem>>)
    %dma_wait3A = arith.constant 0 : i32
    %dma_wait3A_17 = arith.constant 0 : i32
    %dma_wait3A_18 = tpu.memref_slice %arg2[%dma_wait3A, %dma_wait3A_17] : memref<100000x128xf32, #tpu.memory_space<hbm>> -> memref<200x128xf32, #tpu.memory_space<hbm>>
    %dma_wait3A_19 = arith.constant 0 : i32
    %dma_wait3A_20 = arith.constant 0 : i32
    %dma_wait3A_21 = tpu.memref_slice %arg2[%dma_wait3A_19, %dma_wait3A_20] : memref<100000x128xf32, #tpu.memory_space<hbm>> -> memref<200x128xf32, #tpu.memory_space<hbm>>
    tpu.wait_dma2 semaphore(%arg10 : memref<!tpu.dma_semaphore, #tpu.memory_space<semaphore_mem>>) src(%dma_wait3A_21 : memref<200x128xf32, #tpu.memory_space<hbm>>) dst(%arg6 : memref<200x128xf32, #tpu.memory_space<vmem>>)
    %add3A_22 = arith.constant 0 : i32
    %add3A_23 = arith.addi %mul3A_2, %add3A_22 : i32
    %dma_start3A_24 = arith.constant 0 : i32
    %dma_start3A_25 = tpu.memref_slice %arg4[%add3A_23, %dma_start3A_24] : memref<819200x128xf32, #tpu.memory_space<hbm>> -> memref<200x128xf32, #tpu.memory_space<hbm>>
    %dma_start3A_26 = arith.constant 0 : i32
    %dma_start3A_27 = tpu.memref_slice %arg4[%add3A_23, %dma_start3A_26] : memref<819200x128xf32, #tpu.memory_space<hbm>> -> memref<200x128xf32, #tpu.memory_space<hbm>>
    tpu.enqueue_dma source(%arg6 : memref<200x128xf32, #tpu.memory_space<vmem>>) target(%dma_start3A_27 : memref<200x128xf32, #tpu.memory_space<hbm>>) target_semaphore(%arg14 : memref<!tpu.dma_semaphore, #tpu.memory_space<semaphore_mem>>)
    %dma_start3A_28 = arith.constant 600 : i32
    %dma_start3A_29 = tpu.memref_slice %arg5[%dma_start3A_28] : memref<25600xi32, #tpu.memory_space<vmem>> -> memref<200xi32, #tpu.memory_space<vmem>>
    %dma_start3A_30 = arith.constant 0 : i32
    %dma_start3A_31 = arith.constant 0 : i32
    %dma_start3A_32 = tpu.memref_slice %arg2[%dma_start3A_30, %dma_start3A_31] : memref<100000x128xf32, #tpu.memory_space<hbm>> -> memref<100000x128xf32, #tpu.memory_space<hbm>>
    tpu.enqueue_indirect_dma source(%dma_start3A_32 : memref<100000x128xf32, #tpu.memory_space<hbm>>) target(%arg9 : memref<200x128xf32, #tpu.memory_space<vmem>>) offsets(%dma_start3A_29 : memref<200xi32, #tpu.memory_space<vmem>>) semaphore(%arg13 : memref<!tpu.dma_semaphore, #tpu.memory_space<semaphore_mem>>)
    %dma_wait3A_33 = arith.constant 0 : i32
    %dma_wait3A_34 = arith.constant 0 : i32
    %dma_wait3A_35 = tpu.memref_slice %arg2[%dma_wait3A_33, %dma_wait3A_34] : memref<100000x128xf32, #tpu.memory_space<hbm>> -> memref<200x128xf32, #tpu.memory_space<hbm>>
    %dma_wait3A_36 = arith.constant 0 : i32
    %dma_wait3A_37 = arith.constant 0 : i32
    %dma_wait3A_38 = tpu.memref_slice %arg2[%dma_wait3A_36, %dma_wait3A_37] : memref<100000x128xf32, #tpu.memory_space<hbm>> -> memref<200x128xf32, #tpu.memory_space<hbm>>
    tpu.wait_dma2 semaphore(%arg11 : memref<!tpu.dma_semaphore, #tpu.memory_space<semaphore_mem>>) src(%dma_wait3A_38 : memref<200x128xf32, #tpu.memory_space<hbm>>) dst(%arg7 : memref<200x128xf32, #tpu.memory_space<vmem>>)
    %add3A_39 = arith.constant 200 : i32
    %add3A_40 = arith.addi %mul3A_2, %add3A_39 : i32
    %dma_start3A_41 = arith.constant 0 : i32
    %dma_start3A_42 = tpu.memref_slice %arg4[%add3A_40, %dma_start3A_41] : memref<819200x128xf32, #tpu.memory_space<hbm>> -> memref<200x128xf32, #tpu.memory_space<hbm>>
    %dma_start3A_43 = arith.constant 0 : i32
    %dma_start3A_44 = tpu.memref_slice %arg4[%add3A_40, %dma_start3A_43] : memref<819200x128xf32, #tpu.memory_space<hbm>> -> memref<200x128xf32, #tpu.memory_space<hbm>>
    tpu.enqueue_dma source(%arg7 : memref<200x128xf32, #tpu.memory_space<vmem>>) target(%dma_start3A_44 : memref<200x128xf32, #tpu.memory_space<hbm>>) target_semaphore(%arg15 : memref<!tpu.dma_semaphore, #tpu.memory_space<semaphore_mem>>)
    %scan3A = arith.constant 0 : i32
    %scan3A_45 = arith.constant 1 : i32
    %scan3A_46 = arith.constant 31 : i32
    %scan3A_47 = arith.addi %scan3A_45, %scan3A_46 : i32
    %scan3A_48 = arith.constant 1 : i32
    scf.for %scan3A_90 = %scan3A_45 to %scan3A_47 step %scan3A_48  : i32 {
      %mul3A_91 = arith.constant 4 : i32
      %mul3A_92 = arith.muli %mul3A_91, %scan3A_90 : i32
      %dma_wait3A_93 = arith.constant 0 : i32
      %dma_wait3A_94 = tpu.memref_slice %arg4[%mul3A_2, %dma_wait3A_93] : memref<819200x128xf32, #tpu.memory_space<hbm>> -> memref<200x128xf32, #tpu.memory_space<hbm>>
      %dma_wait3A_95 = arith.constant 0 : i32
      %dma_wait3A_96 = tpu.memref_slice %arg4[%mul3A_2, %dma_wait3A_95] : memref<819200x128xf32, #tpu.memory_space<hbm>> -> memref<200x128xf32, #tpu.memory_space<hbm>>
      tpu.wait_dma2 semaphore(%arg14 : memref<!tpu.dma_semaphore, #tpu.memory_space<semaphore_mem>>) src(%arg6 : memref<200x128xf32, #tpu.memory_space<vmem>>) dst(%dma_wait3A_96 : memref<200x128xf32, #tpu.memory_space<hbm>>)
      %add3A_97 = arith.constant 0 : i32
      %add3A_98 = arith.addi %mul3A_92, %add3A_97 : i32
      %mul3A_99 = arith.constant 200 : i32
      %mul3A_100 = arith.muli %add3A_98, %mul3A_99 : i32
      %dma_start3A_101 = tpu.memref_slice %arg5[%mul3A_100] : memref<25600xi32, #tpu.memory_space<vmem>> -> memref<200xi32, #tpu.memory_space<vmem>>
      %dma_start3A_102 = arith.constant 0 : i32
      %dma_start3A_103 = arith.constant 0 : i32
      %dma_start3A_104 = tpu.memref_slice %arg2[%dma_start3A_102, %dma_start3A_103] : memref<100000x128xf32, #tpu.memory_space<hbm>> -> memref<100000x128xf32, #tpu.memory_space<hbm>>
      tpu.enqueue_indirect_dma source(%dma_start3A_104 : memref<100000x128xf32, #tpu.memory_space<hbm>>) target(%arg6 : memref<200x128xf32, #tpu.memory_space<vmem>>) offsets(%dma_start3A_101 : memref<200xi32, #tpu.memory_space<vmem>>) semaphore(%arg10 : memref<!tpu.dma_semaphore, #tpu.memory_space<semaphore_mem>>)
      %dma_wait3A_105 = arith.constant 0 : i32
      %dma_wait3A_106 = arith.constant 0 : i32
      %dma_wait3A_107 = tpu.memref_slice %arg2[%dma_wait3A_105, %dma_wait3A_106] : memref<100000x128xf32, #tpu.memory_space<hbm>> -> memref<200x128xf32, #tpu.memory_space<hbm>>
      %dma_wait3A_108 = arith.constant 0 : i32
      %dma_wait3A_109 = arith.constant 0 : i32
      %dma_wait3A_110 = tpu.memref_slice %arg2[%dma_wait3A_108, %dma_wait3A_109] : memref<100000x128xf32, #tpu.memory_space<hbm>> -> memref<200x128xf32, #tpu.memory_space<hbm>>
      tpu.wait_dma2 semaphore(%arg12 : memref<!tpu.dma_semaphore, #tpu.memory_space<semaphore_mem>>) src(%dma_wait3A_110 : memref<200x128xf32, #tpu.memory_space<hbm>>) dst(%arg8 : memref<200x128xf32, #tpu.memory_space<vmem>>)
      %add3A_111 = arith.constant 0 : i32
      %add3A_112 = arith.addi %mul3A_92, %add3A_111 : i32
      %sub3A = arith.constant 2 : i32
      %sub3A_113 = arith.subi %add3A_112, %sub3A : i32
      %mul3A_114 = arith.constant 200 : i32
      %mul3A_115 = arith.muli %sub3A_113, %mul3A_114 : i32
      %add3A_116 = arith.addi %mul3A_2, %mul3A_115 : i32
      %dma_start3A_117 = arith.constant 0 : i32
      %dma_start3A_118 = tpu.memref_slice %arg4[%add3A_116, %dma_start3A_117] : memref<819200x128xf32, #tpu.memory_space<hbm>> -> memref<200x128xf32, #tpu.memory_space<hbm>>
      %dma_start3A_119 = arith.constant 0 : i32
      %dma_start3A_120 = tpu.memref_slice %arg4[%add3A_116, %dma_start3A_119] : memref<819200x128xf32, #tpu.memory_space<hbm>> -> memref<200x128xf32, #tpu.memory_space<hbm>>
      tpu.enqueue_dma source(%arg8 : memref<200x128xf32, #tpu.memory_space<vmem>>) target(%dma_start3A_120 : memref<200x128xf32, #tpu.memory_space<hbm>>) target_semaphore(%arg16 : memref<!tpu.dma_semaphore, #tpu.memory_space<semaphore_mem>>)
      %dma_wait3A_121 = arith.constant 0 : i32
      %dma_wait3A_122 = tpu.memref_slice %arg4[%mul3A_2, %dma_wait3A_121] : memref<819200x128xf32, #tpu.memory_space<hbm>> -> memref<200x128xf32, #tpu.memory_space<hbm>>
      %dma_wait3A_123 = arith.constant 0 : i32
      %dma_wait3A_124 = tpu.memref_slice %arg4[%mul3A_2, %dma_wait3A_123] : memref<819200x128xf32, #tpu.memory_space<hbm>> -> memref<200x128xf32, #tpu.memory_space<hbm>>
      tpu.wait_dma2 semaphore(%arg15 : memref<!tpu.dma_semaphore, #tpu.memory_space<semaphore_mem>>) src(%arg7 : memref<200x128xf32, #tpu.memory_space<vmem>>) dst(%dma_wait3A_124 : memref<200x128xf32, #tpu.memory_space<hbm>>)
      %add3A_125 = arith.constant 1 : i32
      %add3A_126 = arith.addi %mul3A_92, %add3A_125 : i32
      %mul3A_127 = arith.constant 200 : i32
      %mul3A_128 = arith.muli %add3A_126, %mul3A_127 : i32
      %dma_start3A_129 = tpu.memref_slice %arg5[%mul3A_128] : memref<25600xi32, #tpu.memory_space<vmem>> -> memref<200xi32, #tpu.memory_space<vmem>>
      %dma_start3A_130 = arith.constant 0 : i32
      %dma_start3A_131 = arith.constant 0 : i32
      %dma_start3A_132 = tpu.memref_slice %arg2[%dma_start3A_130, %dma_start3A_131] : memref<100000x128xf32, #tpu.memory_space<hbm>> -> memref<100000x128xf32, #tpu.memory_space<hbm>>
      tpu.enqueue_indirect_dma source(%dma_start3A_132 : memref<100000x128xf32, #tpu.memory_space<hbm>>) target(%arg7 : memref<200x128xf32, #tpu.memory_space<vmem>>) offsets(%dma_start3A_129 : memref<200xi32, #tpu.memory_space<vmem>>) semaphore(%arg11 : memref<!tpu.dma_semaphore, #tpu.memory_space<semaphore_mem>>)
      %dma_wait3A_133 = arith.constant 0 : i32
      %dma_wait3A_134 = arith.constant 0 : i32
      %dma_wait3A_135 = tpu.memref_slice %arg2[%dma_wait3A_133, %dma_wait3A_134] : memref<100000x128xf32, #tpu.memory_space<hbm>> -> memref<200x128xf32, #tpu.memory_space<hbm>>
      %dma_wait3A_136 = arith.constant 0 : i32
      %dma_wait3A_137 = arith.constant 0 : i32
      %dma_wait3A_138 = tpu.memref_slice %arg2[%dma_wait3A_136, %dma_wait3A_137] : memref<100000x128xf32, #tpu.memory_space<hbm>> -> memref<200x128xf32, #tpu.memory_space<hbm>>
      tpu.wait_dma2 semaphore(%arg13 : memref<!tpu.dma_semaphore, #tpu.memory_space<semaphore_mem>>) src(%dma_wait3A_138 : memref<200x128xf32, #tpu.memory_space<hbm>>) dst(%arg9 : memref<200x128xf32, #tpu.memory_space<vmem>>)
      %add3A_139 = arith.constant 1 : i32
      %add3A_140 = arith.addi %mul3A_92, %add3A_139 : i32
      %sub3A_141 = arith.constant 2 : i32
      %sub3A_142 = arith.subi %add3A_140, %sub3A_141 : i32
      %mul3A_143 = arith.constant 200 : i32
      %mul3A_144 = arith.muli %sub3A_142, %mul3A_143 : i32
      %add3A_145 = arith.addi %mul3A_2, %mul3A_144 : i32
      %dma_start3A_146 = arith.constant 0 : i32
      %dma_start3A_147 = tpu.memref_slice %arg4[%add3A_145, %dma_start3A_146] : memref<819200x128xf32, #tpu.memory_space<hbm>> -> memref<200x128xf32, #tpu.memory_space<hbm>>
      %dma_start3A_148 = arith.constant 0 : i32
      %dma_start3A_149 = tpu.memref_slice %arg4[%add3A_145, %dma_start3A_148] : memref<819200x128xf32, #tpu.memory_space<hbm>> -> memref<200x128xf32, #tpu.memory_space<hbm>>
      tpu.enqueue_dma source(%arg9 : memref<200x128xf32, #tpu.memory_space<vmem>>) target(%dma_start3A_149 : memref<200x128xf32, #tpu.memory_space<hbm>>) target_semaphore(%arg17 : memref<!tpu.dma_semaphore, #tpu.memory_space<semaphore_mem>>)
      %dma_wait3A_150 = arith.constant 0 : i32
      %dma_wait3A_151 = tpu.memref_slice %arg4[%mul3A_2, %dma_wait3A_150] : memref<819200x128xf32, #tpu.memory_space<hbm>> -> memref<200x128xf32, #tpu.memory_space<hbm>>
      %dma_wait3A_152 = arith.constant 0 : i32
      %dma_wait3A_153 = tpu.memref_slice %arg4[%mul3A_2, %dma_wait3A_152] : memref<819200x128xf32, #tpu.memory_space<hbm>> -> memref<200x128xf32, #tpu.memory_space<hbm>>
      tpu.wait_dma2 semaphore(%arg16 : memref<!tpu.dma_semaphore, #tpu.memory_space<semaphore_mem>>) src(%arg8 : memref<200x128xf32, #tpu.memory_space<vmem>>) dst(%dma_wait3A_153 : memref<200x128xf32, #tpu.memory_space<hbm>>)
      %add3A_154 = arith.constant 2 : i32
      %add3A_155 = arith.addi %mul3A_92, %add3A_154 : i32
      %mul3A_156 = arith.constant 200 : i32
      %mul3A_157 = arith.muli %add3A_155, %mul3A_156 : i32
      %dma_start3A_158 = tpu.memref_slice %arg5[%mul3A_157] : memref<25600xi32, #tpu.memory_space<vmem>> -> memref<200xi32, #tpu.memory_space<vmem>>
      %dma_start3A_159 = arith.constant 0 : i32
      %dma_start3A_160 = arith.constant 0 : i32
      %dma_start3A_161 = tpu.memref_slice %arg2[%dma_start3A_159, %dma_start3A_160] : memref<100000x128xf32, #tpu.memory_space<hbm>> -> memref<100000x128xf32, #tpu.memory_space<hbm>>
      tpu.enqueue_indirect_dma source(%dma_start3A_161 : memref<100000x128xf32, #tpu.memory_space<hbm>>) target(%arg8 : memref<200x128xf32, #tpu.memory_space<vmem>>) offsets(%dma_start3A_158 : memref<200xi32, #tpu.memory_space<vmem>>) semaphore(%arg12 : memref<!tpu.dma_semaphore, #tpu.memory_space<semaphore_mem>>)
      %dma_wait3A_162 = arith.constant 0 : i32
      %dma_wait3A_163 = arith.constant 0 : i32
      %dma_wait3A_164 = tpu.memref_slice %arg2[%dma_wait3A_162, %dma_wait3A_163] : memref<100000x128xf32, #tpu.memory_space<hbm>> -> memref<200x128xf32, #tpu.memory_space<hbm>>
      %dma_wait3A_165 = arith.constant 0 : i32
      %dma_wait3A_166 = arith.constant 0 : i32
      %dma_wait3A_167 = tpu.memref_slice %arg2[%dma_wait3A_165, %dma_wait3A_166] : memref<100000x128xf32, #tpu.memory_space<hbm>> -> memref<200x128xf32, #tpu.memory_space<hbm>>
      tpu.wait_dma2 semaphore(%arg10 : memref<!tpu.dma_semaphore, #tpu.memory_space<semaphore_mem>>) src(%dma_wait3A_167 : memref<200x128xf32, #tpu.memory_space<hbm>>) dst(%arg6 : memref<200x128xf32, #tpu.memory_space<vmem>>)
      %add3A_168 = arith.constant 2 : i32
      %add3A_169 = arith.addi %mul3A_92, %add3A_168 : i32
      %sub3A_170 = arith.constant 2 : i32
      %sub3A_171 = arith.subi %add3A_169, %sub3A_170 : i32
      %mul3A_172 = arith.constant 200 : i32
      %mul3A_173 = arith.muli %sub3A_171, %mul3A_172 : i32
      %add3A_174 = arith.addi %mul3A_2, %mul3A_173 : i32
      %dma_start3A_175 = arith.constant 0 : i32
      %dma_start3A_176 = tpu.memref_slice %arg4[%add3A_174, %dma_start3A_175] : memref<819200x128xf32, #tpu.memory_space<hbm>> -> memref<200x128xf32, #tpu.memory_space<hbm>>
      %dma_start3A_177 = arith.constant 0 : i32
      %dma_start3A_178 = tpu.memref_slice %arg4[%add3A_174, %dma_start3A_177] : memref<819200x128xf32, #tpu.memory_space<hbm>> -> memref<200x128xf32, #tpu.memory_space<hbm>>
      tpu.enqueue_dma source(%arg6 : memref<200x128xf32, #tpu.memory_space<vmem>>) target(%dma_start3A_178 : memref<200x128xf32, #tpu.memory_space<hbm>>) target_semaphore(%arg14 : memref<!tpu.dma_semaphore, #tpu.memory_space<semaphore_mem>>)
      %dma_wait3A_179 = arith.constant 0 : i32
      %dma_wait3A_180 = tpu.memref_slice %arg4[%mul3A_2, %dma_wait3A_179] : memref<819200x128xf32, #tpu.memory_space<hbm>> -> memref<200x128xf32, #tpu.memory_space<hbm>>
      %dma_wait3A_181 = arith.constant 0 : i32
      %dma_wait3A_182 = tpu.memref_slice %arg4[%mul3A_2, %dma_wait3A_181] : memref<819200x128xf32, #tpu.memory_space<hbm>> -> memref<200x128xf32, #tpu.memory_space<hbm>>
      tpu.wait_dma2 semaphore(%arg17 : memref<!tpu.dma_semaphore, #tpu.memory_space<semaphore_mem>>) src(%arg9 : memref<200x128xf32, #tpu.memory_space<vmem>>) dst(%dma_wait3A_182 : memref<200x128xf32, #tpu.memory_space<hbm>>)
      %add3A_183 = arith.constant 3 : i32
      %add3A_184 = arith.addi %mul3A_92, %add3A_183 : i32
      %mul3A_185 = arith.constant 200 : i32
      %mul3A_186 = arith.muli %add3A_184, %mul3A_185 : i32
      %dma_start3A_187 = tpu.memref_slice %arg5[%mul3A_186] : memref<25600xi32, #tpu.memory_space<vmem>> -> memref<200xi32, #tpu.memory_space<vmem>>
      %dma_start3A_188 = arith.constant 0 : i32
      %dma_start3A_189 = arith.constant 0 : i32
      %dma_start3A_190 = tpu.memref_slice %arg2[%dma_start3A_188, %dma_start3A_189] : memref<100000x128xf32, #tpu.memory_space<hbm>> -> memref<100000x128xf32, #tpu.memory_space<hbm>>
      tpu.enqueue_indirect_dma source(%dma_start3A_190 : memref<100000x128xf32, #tpu.memory_space<hbm>>) target(%arg9 : memref<200x128xf32, #tpu.memory_space<vmem>>) offsets(%dma_start3A_187 : memref<200xi32, #tpu.memory_space<vmem>>) semaphore(%arg13 : memref<!tpu.dma_semaphore, #tpu.memory_space<semaphore_mem>>)
      %dma_wait3A_191 = arith.constant 0 : i32
      %dma_wait3A_192 = arith.constant 0 : i32
      %dma_wait3A_193 = tpu.memref_slice %arg2[%dma_wait3A_191, %dma_wait3A_192] : memref<100000x128xf32, #tpu.memory_space<hbm>> -> memref<200x128xf32, #tpu.memory_space<hbm>>
      %dma_wait3A_194 = arith.constant 0 : i32
      %dma_wait3A_195 = arith.constant 0 : i32
      %dma_wait3A_196 = tpu.memref_slice %arg2[%dma_wait3A_194, %dma_wait3A_195] : memref<100000x128xf32, #tpu.memory_space<hbm>> -> memref<200x128xf32, #tpu.memory_space<hbm>>
      tpu.wait_dma2 semaphore(%arg11 : memref<!tpu.dma_semaphore, #tpu.memory_space<semaphore_mem>>) src(%dma_wait3A_196 : memref<200x128xf32, #tpu.memory_space<hbm>>) dst(%arg7 : memref<200x128xf32, #tpu.memory_space<vmem>>)
      %add3A_197 = arith.constant 3 : i32
      %add3A_198 = arith.addi %mul3A_92, %add3A_197 : i32
      %sub3A_199 = arith.constant 2 : i32
      %sub3A_200 = arith.subi %add3A_198, %sub3A_199 : i32
      %mul3A_201 = arith.constant 200 : i32
      %mul3A_202 = arith.muli %sub3A_200, %mul3A_201 : i32
      %add3A_203 = arith.addi %mul3A_2, %mul3A_202 : i32
      %dma_start3A_204 = arith.constant 0 : i32
      %dma_start3A_205 = tpu.memref_slice %arg4[%add3A_203, %dma_start3A_204] : memref<819200x128xf32, #tpu.memory_space<hbm>> -> memref<200x128xf32, #tpu.memory_space<hbm>>
      %dma_start3A_206 = arith.constant 0 : i32
      %dma_start3A_207 = tpu.memref_slice %arg4[%add3A_203, %dma_start3A_206] : memref<819200x128xf32, #tpu.memory_space<hbm>> -> memref<200x128xf32, #tpu.memory_space<hbm>>
      tpu.enqueue_dma source(%arg7 : memref<200x128xf32, #tpu.memory_space<vmem>>) target(%dma_start3A_207 : memref<200x128xf32, #tpu.memory_space<hbm>>) target_semaphore(%arg15 : memref<!tpu.dma_semaphore, #tpu.memory_space<semaphore_mem>>)
    }
    %scan3A_49 = arith.constant 31 : i32
    %dma_wait3A_50 = arith.constant 0 : i32
    %dma_wait3A_51 = arith.constant 0 : i32
    %dma_wait3A_52 = tpu.memref_slice %arg2[%dma_wait3A_50, %dma_wait3A_51] : memref<100000x128xf32, #tpu.memory_space<hbm>> -> memref<200x128xf32, #tpu.memory_space<hbm>>
    %dma_wait3A_53 = arith.constant 0 : i32
    %dma_wait3A_54 = arith.constant 0 : i32
    %dma_wait3A_55 = tpu.memref_slice %arg2[%dma_wait3A_53, %dma_wait3A_54] : memref<100000x128xf32, #tpu.memory_space<hbm>> -> memref<200x128xf32, #tpu.memory_space<hbm>>
    tpu.wait_dma2 semaphore(%arg12 : memref<!tpu.dma_semaphore, #tpu.memory_space<semaphore_mem>>) src(%dma_wait3A_55 : memref<200x128xf32, #tpu.memory_space<hbm>>) dst(%arg8 : memref<200x128xf32, #tpu.memory_space<vmem>>)
    %add3A_56 = arith.constant 25200 : i32
    %add3A_57 = arith.addi %mul3A_2, %add3A_56 : i32
    %dma_start3A_58 = arith.constant 0 : i32
    %dma_start3A_59 = tpu.memref_slice %arg4[%add3A_57, %dma_start3A_58] : memref<819200x128xf32, #tpu.memory_space<hbm>> -> memref<200x128xf32, #tpu.memory_space<hbm>>
    %dma_start3A_60 = arith.constant 0 : i32
    %dma_start3A_61 = tpu.memref_slice %arg4[%add3A_57, %dma_start3A_60] : memref<819200x128xf32, #tpu.memory_space<hbm>> -> memref<200x128xf32, #tpu.memory_space<hbm>>
    tpu.enqueue_dma source(%arg8 : memref<200x128xf32, #tpu.memory_space<vmem>>) target(%dma_start3A_61 : memref<200x128xf32, #tpu.memory_space<hbm>>) target_semaphore(%arg16 : memref<!tpu.dma_semaphore, #tpu.memory_space<semaphore_mem>>)
    %dma_wait3A_62 = arith.constant 0 : i32
    %dma_wait3A_63 = arith.constant 0 : i32
    %dma_wait3A_64 = tpu.memref_slice %arg2[%dma_wait3A_62, %dma_wait3A_63] : memref<100000x128xf32, #tpu.memory_space<hbm>> -> memref<200x128xf32, #tpu.memory_space<hbm>>
    %dma_wait3A_65 = arith.constant 0 : i32
    %dma_wait3A_66 = arith.constant 0 : i32
    %dma_wait3A_67 = tpu.memref_slice %arg2[%dma_wait3A_65, %dma_wait3A_66] : memref<100000x128xf32, #tpu.memory_space<hbm>> -> memref<200x128xf32, #tpu.memory_space<hbm>>
    tpu.wait_dma2 semaphore(%arg13 : memref<!tpu.dma_semaphore, #tpu.memory_space<semaphore_mem>>) src(%dma_wait3A_67 : memref<200x128xf32, #tpu.memory_space<hbm>>) dst(%arg9 : memref<200x128xf32, #tpu.memory_space<vmem>>)
    %add3A_68 = arith.constant 25400 : i32
    %add3A_69 = arith.addi %mul3A_2, %add3A_68 : i32
    %dma_start3A_70 = arith.constant 0 : i32
    %dma_start3A_71 = tpu.memref_slice %arg4[%add3A_69, %dma_start3A_70] : memref<819200x128xf32, #tpu.memory_space<hbm>> -> memref<200x128xf32, #tpu.memory_space<hbm>>
    %dma_start3A_72 = arith.constant 0 : i32
    %dma_start3A_73 = tpu.memref_slice %arg4[%add3A_69, %dma_start3A_72] : memref<819200x128xf32, #tpu.memory_space<hbm>> -> memref<200x128xf32, #tpu.memory_space<hbm>>
    tpu.enqueue_dma source(%arg9 : memref<200x128xf32, #tpu.memory_space<vmem>>) target(%dma_start3A_73 : memref<200x128xf32, #tpu.memory_space<hbm>>) target_semaphore(%arg17 : memref<!tpu.dma_semaphore, #tpu.memory_space<semaphore_mem>>)
    %dma_wait3A_74 = arith.constant 0 : i32
    %dma_wait3A_75 = tpu.memref_slice %arg4[%mul3A_2, %dma_wait3A_74] : memref<819200x128xf32, #tpu.memory_space<hbm>> -> memref<200x128xf32, #tpu.memory_space<hbm>>
    %dma_wait3A_76 = arith.constant 0 : i32
    %dma_wait3A_77 = tpu.memref_slice %arg4[%mul3A_2, %dma_wait3A_76] : memref<819200x128xf32, #tpu.memory_space<hbm>> -> memref<200x128xf32, #tpu.memory_space<hbm>>
    tpu.wait_dma2 semaphore(%arg14 : memref<!tpu.dma_semaphore, #tpu.memory_space<semaphore_mem>>) src(%arg6 : memref<200x128xf32, #tpu.memory_space<vmem>>) dst(%dma_wait3A_77 : memref<200x128xf32, #tpu.memory_space<hbm>>)
    %dma_wait3A_78 = arith.constant 0 : i32
    %dma_wait3A_79 = tpu.memref_slice %arg4[%mul3A_2, %dma_wait3A_78] : memref<819200x128xf32, #tpu.memory_space<hbm>> -> memref<200x128xf32, #tpu.memory_space<hbm>>
    %dma_wait3A_80 = arith.constant 0 : i32
    %dma_wait3A_81 = tpu.memref_slice %arg4[%mul3A_2, %dma_wait3A_80] : memref<819200x128xf32, #tpu.memory_space<hbm>> -> memref<200x128xf32, #tpu.memory_space<hbm>>
    tpu.wait_dma2 semaphore(%arg15 : memref<!tpu.dma_semaphore, #tpu.memory_space<semaphore_mem>>) src(%arg7 : memref<200x128xf32, #tpu.memory_space<vmem>>) dst(%dma_wait3A_81 : memref<200x128xf32, #tpu.memory_space<hbm>>)
    %dma_wait3A_82 = arith.constant 0 : i32
    %dma_wait3A_83 = tpu.memref_slice %arg4[%mul3A_2, %dma_wait3A_82] : memref<819200x128xf32, #tpu.memory_space<hbm>> -> memref<200x128xf32, #tpu.memory_space<hbm>>
    %dma_wait3A_84 = arith.constant 0 : i32
    %dma_wait3A_85 = tpu.memref_slice %arg4[%mul3A_2, %dma_wait3A_84] : memref<819200x128xf32, #tpu.memory_space<hbm>> -> memref<200x128xf32, #tpu.memory_space<hbm>>
    tpu.wait_dma2 semaphore(%arg16 : memref<!tpu.dma_semaphore, #tpu.memory_space<semaphore_mem>>) src(%arg8 : memref<200x128xf32, #tpu.memory_space<vmem>>) dst(%dma_wait3A_85 : memref<200x128xf32, #tpu.memory_space<hbm>>)
    %dma_wait3A_86 = arith.constant 0 : i32
    %dma_wait3A_87 = tpu.memref_slice %arg4[%mul3A_2, %dma_wait3A_86] : memref<819200x128xf32, #tpu.memory_space<hbm>> -> memref<200x128xf32, #tpu.memory_space<hbm>>
    %dma_wait3A_88 = arith.constant 0 : i32
    %dma_wait3A_89 = tpu.memref_slice %arg4[%mul3A_2, %dma_wait3A_88] : memref<819200x128xf32, #tpu.memory_space<hbm>> -> memref<200x128xf32, #tpu.memory_space<hbm>>
    tpu.wait_dma2 semaphore(%arg17 : memref<!tpu.dma_semaphore, #tpu.memory_space<semaphore_mem>>) src(%arg9 : memref<200x128xf32, #tpu.memory_space<vmem>>) dst(%dma_wait3A_89 : memref<200x128xf32, #tpu.memory_space<hbm>>)
    return
  }
}

module attributes {stable_mosaic.version = 14 : i64} {
  func.func @body(%arg0: i32, %arg1: memref<10000x96xf32, #tpu.memory_space<vmem>>, %arg2: memref<10000x128xf32, #tpu.memory_space<vmem>>) attributes {dimension_semantics = [#tpu.dimension_semantics<arbitrary>], iteration_bounds = array<i64: 10>, scalar_prefetch = 0 : i64, scratch_operands = 0 : i64, tpu.core_type = #tpu.core_type<tc>, window_params = [{transform_indices = @transform_0, window_bounds = array<i64: 10000, 96>}, {transform_indices = @transform_1, window_bounds = array<i64: 10000, 128>}]} {
    %get3A = arith.constant 0 : index
    %get3A_0 = arith.constant 0 : index
    %get3A_1 = vector.load %arg1[%get3A, %get3A_0] : memref<10000x96xf32, #tpu.memory_space<vmem>>, vector<10000x96xf32>
    %swap3A = arith.constant 0 : index
    %swap3A_2 = arith.constant 0 : index
    %swap3A_3 = vector.load %arg2[%swap3A, %swap3A_2] : memref<10000x128xf32, #tpu.memory_space<vmem>>, vector<10000x96xf32>
    tpu.vector_store %arg2[%swap3A, %swap3A_2], %get3A_1 {strides = array<i32>} : memref<10000x128xf32, #tpu.memory_space<vmem>>, vector<10000x96xf32>,
    return
  }
  func.func @transform_0(%arg0: i32) -> (i32, i32) {
    %c0_i32 = arith.constant 0 : i32
    %c0_i32_0 = arith.constant 0 : i32
    return %arg0, %c0_i32 : i32, i32
  }
  func.func @transform_1(%arg0: i32) -> (i32, i32) {
    %c0_i32 = arith.constant 0 : i32
    %c0_i32_0 = arith.constant 0 : i32
    return %arg0, %c0_i32 : i32, i32
  }
}

</mosaic_0001>

<sc_bundles>
// kernel: kernel.4.cloned.1.call-start
scs
__scs_entry_jumppad:
0x0: {  	(pc) =	sbr.rel $0x88, $3  }
0x1: {  	(tag) =	ssettag $0x0;
	lr =	simm.s32 $0x1  }
0x2: {  	[smem:$0x3F9F] =	sst lr;
	_ =	strace $0xD0000000  }
0x3: {  	_ = 	snop  }
0x4: {  	_ = 	snop  }
0x5: {  	_ = 	snop  }
0x6: {  	_ = 	snop  }
0x7: {  	_ = 	snop  }
__scs_overlays_trampoline_lowered:
0x8: {  	[smem:$0x3FAE] =	sst s0  }
0x9: {  	[smem:$0x3FAF] =	sst s1  }
0xa: {  	[smem:$0x3FB0] =	sst s2  }
0xb: {  	[smem:$0x3FB1] =	sst s3  }
0xc: {  	[smem:$0x3FB2] =	sst s4  }
0xd: {  	[smem:$0x3FB3] =	sst s5  }
0xe: {  	[smem:$0x3FB4] =	sst s6  }
0xf: {  	[smem:$0x3FB5] =	sst s7  }
0x10: {  	[smem:$0x3FB6] =	sst s8  }
0x11: {  	[smem:$0x3FB7] =	sst s9;
	s0 =	simm.s32 @!p0 $0x0  }
0x12: {  	s1 =	sld [smem:$0x3F9D];
	s0 =	simm.s32 @p0 $0x1  }
0x13: {  	[smem:$0x3FB8] =	sst s0;
	s0 =	simm.s32 @!p1 $0x0  }
0x14: {  	s2 =	sld [smem:$0x3F9C];
	s0 =	simm.s32 @p1 $0x1  }
0x15: {  	[smem:$0x3FB9] =	sst s0;
	s0 =	simm.s32 @!p2 $0x0  }
0x16: {  	s3 =	sld [smem:$0x3FDB];
	s0 =	simm.s32 @p2 $0x1  }
0x17: {  	s4 =	simm.s32 $0x1BF5;
	[smem:$0x3FBB] =	sst s0  }
0x18: {  	s0 =	sld [smem:$0x3F9E];
	_ =	swait.ge [sflag:s4], $0x0  }
0x19: {  	s7 =	sld [smem:$0x3F9F]  }
0x1a: {  	s8 =	sadd.s32 $0xFFFFE003, lr  }
0x1b: {  	s9 =	sadd.s32 $0xFFFFFEF7, lr;
	s5 =	simm.s32 $0xFFFFFFFF;
	p2 =	slt.u32 s8, $0xFFFFF086  }
0x1c: {  	p1 =	slt.u32 s9, $0xF7A;
	s5 =	simm.s32 @!p2 $0x0  }
0x1d: {  	s5 =	simm.s32 @p1 $0x1;
	p0 =	seq.s32 s7, s2  }
0x1e: {  	s7 =	smul.u32 @!p0 $0xF7A, s2;
	p2 =	seq.s32 @!p0 s5, $0x0  }
0x1f: {  	s9 =	smul.u32 $0xF7A, s1;
	s8 =	simm.s32 @!p0 $0x1BF5;
	p2 =	por !p2, p0  }
0x20: {  	[sflag:s8] =	ssyncset.s32 @!p0 $0xFFFFF086;
	s6 =	sadd.s32 @!p0 s3, s7;
	s7 =	simm.s32 @!p0 $0x108  }
0x21: {  	s3 =	sadd.s32 s3, s9;
	s6 =	sadd.s32 @!p0 $0x88, s6;
	s7 =	simm.s32 @p2 $0x1082  }
0x22: {  	[simem:s7], [sflag:s8] =	dma.local @!p0 [hbm:s6], $0xF7A  }
0x23: {  	s9 =	sor.u32 $0xD0000000, s2;
	s6 =	simm.s32 $0x108;
	_ =	swait.ge @!p0 [sflag:s8], $0x0  }
0x24: {  	s3 =	sadd.s32 $0x88, s3;
	s6 =	simm.s32 @!p1 $0x1082;
	[sflag:s4] =	ssyncset.s32 $0xFFFFF086  }
0x25: {  	[simem:s6], [sflag:s4] =	dma.local [hbm:s3], $0xF7A  }
0x26: {  	[smem:$0x3F9F] =	sst s1;
	(tag) =	ssettag s2;
	_ =	strace s9  }
0x27: {  	s1 =	sld [smem:$0x3FAF]  }
0x28: {  	s2 =	sld [smem:$0x3FB0]  }
0x29: {  	s4 =	sld [smem:$0x3FB2]  }
0x2a: {  	p0 =	seq.s32 s5, $0x0;
	s5 =	sld [smem:$0x3FB3]  }
0x2b: {  	s6 =	sld [smem:$0x3FB4]  }
0x2c: {  	s7 =	sld [smem:$0x3FB5]  }
0x2d: {  	s3 =	simm.s32 $0x108;
	s8 =	sld [smem:$0x3FB6]  }
0x2e: {  	s3 =	simm.s32 @!p0 $0x1082;
	s9 =	sld [smem:$0x3FB7]  }
0x2f: {  	lr =	sadd.s32 s0, s3;
	s0 =	sld [smem:$0x3FAE]  }
0x30: {  	s3 =	sld [smem:$0x3FB1]  }
0x31: {  	[smem:$0x3FBA] =	sst s10  }
0x32: {  	s10 =	sld [smem:$0x3FB8];
	_ =	sdelay $0x3  }
0x33: {  	p0 =	seq.s32 s10, $0x1;
	s10 =	sld [smem:$0x3FBA];
	_ =	sdelay $0x3  }
0x34: {  	[smem:$0x3FBA] =	sst s10  }
0x35: {  	s10 =	sld [smem:$0x3FB9];
	_ =	sdelay $0x3  }
0x36: {  	p1 =	seq.s32 s10, $0x1;
	s10 =	sld [smem:$0x3FBA];
	_ =	sdelay $0x3  }
0x37: {  	[smem:$0x3FBA] =	sst s10  }
0x38: {  	s10 =	sld [smem:$0x3FBB]  }
0x39: {  	_ = 	snop;
	(pc) =	sbr.ind lr, $3  }
0x3a: {  	_ = 	snop  }
0x3b: {  	_ = 	snop  }
0x3c: {  	p2 =	seq.s32 s10, $0x1;
	s10 =	sld [smem:$0x3FBA]  }
0x3d: {  	_ =	shalt  }
0x3e: {  	_ =	shalt  }
0x3f: {  	_ =	shalt  }
0x40: {  	_ =	shalt  }
0x41: {  	_ =	shalt  }
0x42: {  	_ =	shalt  }
0x43: {  	_ =	shalt  }
0x44: {  	_ =	shalt  }
0x45: {  	_ =	shalt  }
0x46: {  	_ =	shalt  }
0x47: {  	_ =	shalt  }
0x48: {  	_ =	shalt  }
0x49: {  	_ =	shalt  }
0x4a: {  	_ =	shalt  }
0x4b: {  	_ =	shalt  }
0x4c: {  	_ =	shalt  }
0x4d: {  	_ =	shalt  }
0x4e: {  	_ =	shalt  }
0x4f: {  	_ =	shalt  }
0x50: {  	_ =	shalt  }
0x51: {  	_ =	shalt  }
0x52: {  	_ =	shalt  }
0x53: {  	_ =	shalt  }
0x54: {  	_ =	shalt  }
0x55: {  	_ =	shalt  }
0x56: {  	_ =	shalt  }
0x57: {  	_ =	shalt  }
0x58: {  	_ =	shalt  }
0x59: {  	_ =	shalt  }
0x5a: {  	_ =	shalt  }
0x5b: {  	_ =	shalt  }
0x5c: {  	_ =	shalt  }
0x5d: {  	_ =	shalt  }
0x5e: {  	_ =	shalt  }
0x5f: {  	_ =	shalt  }
0x60: {  	_ =	shalt  }
0x61: {  	_ =	shalt  }
0x62: {  	_ =	shalt  }
0x63: {  	_ =	shalt  }
0x64: {  	_ =	shalt  }
0x65: {  	_ =	shalt  }
0x66: {  	_ =	shalt  }
0x67: {  	_ =	shalt  }
0x68: {  	_ =	shalt  }
0x69: {  	_ =	shalt  }
0x6a: {  	_ =	shalt  }
0x6b: {  	_ =	shalt  }
0x6c: {  	_ =	shalt  }
0x6d: {  	_ =	shalt  }
0x6e: {  	_ =	shalt  }
0x6f: {  	_ =	shalt  }
0x70: {  	_ =	shalt  }
0x71: {  	_ =	shalt  }
0x72: {  	_ =	shalt  }
0x73: {  	_ =	shalt  }
0x74: {  	_ =	shalt  }
0x75: {  	_ =	shalt  }
0x76: {  	_ =	shalt  }
0x77: {  	_ =	shalt  }
0x78: {  	_ =	shalt  }
0x79: {  	_ =	shalt  }
0x7a: {  	_ =	shalt  }
0x7b: {  	_ =	shalt  }
0x7c: {  	_ =	shalt  }
0x7d: {  	_ =	shalt  }
0x7e: {  	_ =	shalt  }
0x7f: {  	_ =	shalt  }
0x80: {  	_ =	shalt  }
0x81: {  	_ =	shalt  }
0x82: {  	_ =	shalt  }
0x83: {  	_ =	shalt  }
0x84: {  	_ =	shalt  }
0x85: {  	_ =	shalt  }
0x86: {  	_ =	shalt  }
0x87: {  	_ =	shalt  }
.Lfunc_end0:
.L_simem_size_0:
called_computation.1_lowered:
.L_overlay_start_0:
0x88: {  	s2 =	sld [smem:$0x3FD9]  }
0x89: {  	s3 =	sld [smem:$0x3FFE];
	_ =	sdelay $0x1  }
0x8a: {  	s1 =	srdreg.scid  }
0x8b: {  	s0 =	sand.u32 $0x1, s1  }
0x8c: {  	s16 =	sshll.u32 s0, $0xA;
	s2 =	sadd.s32 s3, s2  }
0x8d: {  	s2 =	sadd.s32 s2, s16  }
0x8e: {  	[smem:$0x3FC6] =	sst s2  }
0x8f: {  	_ = 	snop  }
0x90: {  	(tm) =	ssettm $0x1  }
0x91: {  	s17 =	sld [smem:$0x3FFB];
	_ =	sdelay $0x3  }
0x92: {  	_ =	strace s17  }
0x93: {  	s2 =	sld [smem:$0x3FFC];
	_ =	sdelay $0x3  }
0x94: {  	_ =	strace s2  }
0x95: {  	s2 =	sld [smem:$0x3FFD];
	_ =	sdelay $0x3  }
0x96: {  	_ =	strace s2  }
0x97: {  	_ =	strace $0x8FFFFFFF  }
0x98: {  	s18 =	sld [smem:$0x3FDB];
	_ =	sdelay $0x1  }
0x99: {  	s19 =	simm.s32 $_scs_section_size  }
0x9a: {  	s4 =	simm.s32 $_size__tile_overlayer_lowered;
	s5 =	simm.s32 $_tile_overlayer_lowered  }
0x9b: {  	s22 =	simm.s32 $0x1BFF;
	s21 =	sshll.u32 s5, $0x1;
	s2 =	sadd.s32 s19, s18  }
0x9c: {  	s6 =	simm.s32 $0x0;
	s20 =	sshll.u32 s4, $0x1;
	s4 =	sadd.s32 s21, s2  }
0x9d: {  	[timem:s6], [sflag:s22] =	dma.local [hbm:s4], s20  }
0x9e: {  	_ =	swait.ge [sflag:s22], s20  }
0x9f: {  	s3 =	ssub.s32 $0x0, s20;
	[sflag:s22] =	ssyncset.done $0x0  }
0xa0: {  	[sflag:s22] =	ssyncadd.s32 s3;
	_ =	sdelay $0x1  }
0xa1: {  	s23 =	simm.s32 $0x1B8B  }
0xa2: {  	_ =	swait.ge [sflag:s23], $0x1  }
0xa3: {  	[sflag:s23] =	ssyncset.done $0x0  }
0xa4: {  	s25 =	simm.s32 $0x1B8E;
	s24 =	sld [smem:$0x3FFE];
	[sflag:s23] =	ssyncadd.s32 $0xFFFFFFFF  }
0xa5: {  	s26 =	simm.s32 $execute0_lowered;
	[smem:$0x3FD2] =	sst s25  }
0xa6: {  	s4 =	sshll.u32 s26, $0x1;
	_ =	strace $0x80000046;
	[dreg:$0x1] =	wrdreg $0xFFFFFFFF  }
0xa7: {  	s28 =	simm.s32 $_size_execute0_lowered;
	s2 =	sadd.s32 s2, s4;
	[dreg:$0x0] =	wrdreg $0x0  }
0xa8: {  	s4 =	sshll.u32 s28, $0x1;
	[dreg:$0x2] =	wrdreg s2  }
0xa9: {  	[dreg:$0x3] =	wrdreg s4  }
0xaa: {  	[dreg:$0x4] =	wrdreg $0xC0  }
0xab: {  	_ =	task [dreg:s6], $0x5FFFF  }
0xac: {  	[dreg:$0x1] =	wrdreg $0xFFFFFFFF  }
0xad: {  	[dreg:$0x0] =	wrdreg $0x60  }
0xae: {  	[dreg:$0x2] =	wrdreg s24  }
0xaf: {  	[dreg:$0x3] =	wrdreg $0x9  }
0xb0: {  	_ =	task.clear_ibuf [dreg:s6], $0x4FFFF;
	_ =	strace $0x90000046  }
0xb1: {  	s29 =	simm.s32 $0x9;
	_ =	strace $0x80000048  }
0xb2: {  	_ =	swait.ge [sflag:s29], $0x1  }
0xb3: {  	[sflag:s29] =	ssyncadd.s32 $0xFFFFFFFF  }
0xb4: {  	_ =	strace $0x90000048  }
0xb5: {  	_ =	sfence  }
0xb6: {  	s30 =	sld [smem:$0x0];
	_ =	sdelay $0x2  }
0xb7: {  	s31 =	sshll.u32 s1, $0xD;
	s1 =	sshrl.u32 s1, $0x2  }
0xb8: {  	s3 =	sand.u32 $0x4000, s31;
	s1 =	sadd.s32 s1, s30  }
0xb9: {  	s0 =	sor.u32 s3, s0;
	s1 =	sshll.u32 s1, $0x11  }
0xba: {  	s0 =	sor.u32 s1, s0  }
0xbb: {  	s0 =	sadd.s32 $0x8F2B, s0  }
0xbc: {  	[sflag:s0] =	ssyncadd.remote.s32 $0x1  }
0xbd: {  	_ =	sfence.sel $0xFFFF  }
0xbe: {  	[dreg:$0x0] =	wrdreg $0xFFFFFFFF;
	(pc) =	sbr.abs _section_cstart, $3  }
0xbf: {  	[dreg:$0x1] =	wrdreg $0xFFFFFFFF  }
0xc0: {  	_ =	task.clear_ibuf [dreg:s6], $0x2FFFF;
	_ =	strace $0x9FFFFFFF  }
0xc1: {  	(tm) =	ssettm $0x7FFFFFFF  }
tec
execute0_lowered:
.L_overlay_start_1:
0x0: {  	(tag) =	ssettag $0x1  }
0x1: {  	s1 =	srdreg.scid  }
0x2: {  	s0 =	stileid.u32;
	s4 =	rddreg [dreg:$0x0];
	s2 =	simm.s32 $0x0  }
0x3: {  	s13 =	simm.s32 $0x6400;
	s14 =	simm.s32 $0xC800;
	s15 =	simm.s32 $0x190  }
0x4: {  	s16 =	simm.s32 $0x12C00;
	s17 =	simm.s32 $0x1;
	s18 =	simm.s32 $0x258  }
0x5: {  	s19 =	simm.s32 $0x19000;
	s20 =	simm.s32 $0x2;
	s21 =	simm.s32 $0x5  }
0x6: {  	s22 =	simm.s32 $0x3;
	s23 =	simm.s32 $0x6;
	s24 =	simm.s32 $0x4  }
0x7: {  	s25 =	simm.s32 $0x7;
	s6 =	sand.u32 $0x1, s1;
	s3 =	sshll.u32 s0, $0x1  }
0x8: {  	s26 =	simm.s32 $0x8;
	s30 =	smul.u32 $0xC8000, s0;
	s5 =	sor.u32 s6, s3  }
0x9: {  	s28 =	simm.s32 $0x0;
	[smem:$0x7FF] =	sst s2;
	s7 =	smul.u32 $0x6400, s5  }
0xa: {  	s11 =	sadd.s32 $0x1A0200, s4;
	s8 =	ssub.s32 $0x2, s6;
	s10 =	smul.u32 $0x320000, s5  }
0xb: {  	_ =	strace $0x80000047;
	s9 =	sshrl.u32 s8, $0x1;
	s5 =	smul.u32 $0x64000, s5  }
0xc: {  	s3 =	sadd.s32 $0x19800, s4;
	s12 =	smul.u32 $0x64000, s6;
	s9 =	ssub.s32 s8, s9  }
0xd: {  	s7 =	sshrl.u32 s7, $0x3;
	s29 =	sshrl.u32 s10, $0x3;
	s5 =	sadd.s32 s11, s5  }
0xe: {  	s9 =	smax.u32 s9, $0x1;
	s7 =	sadd.s32 s7, s4;
	s10 =	sadd.s32 s11, s29  }
0xf: {  	s6 =	sadd.s32 $0xC80, s5;
	s11 =	sadd.s32 s30, s11;
	s4 =	sadd.s32 $0x800, s7  }
0x10: {  	s7 =	sadd.s32 $0x62700, s10;
	s8 =	sadd.s32 $0x63380, s10;
	s31 =	sadd.s32 s12, s11  }
0x11: {  	s11 =	simm.s32 $0x9;
	s12 =	simm.s32 $0xC8;
	s10 =	sadd.s32 $0x2580, s31  }
.LBB2_1:
0x12: {  	[tilespmem:s2], [sflag:$0x9] =	stream.linear.gather [hbm4b:s4+s2], $0x6400, $0x38;
	[tilespmem:$0x1F400] =	vst v63  }
0x13: {  	_ =	swait.ge [sflag:s11], $0x6400  }
0x14: {  	[sflag:s11] =	ssyncset.done $0x0  }
0x15: {  	[sflag:s11] =	ssyncadd.s32 $0xFFFF9C00  }
0x16: {  	[tilespmem:s13], [sflag:$0x1] =	stream.indirect.gather [hbm4b:s3+s12], $0x80, s2, s12, $0xb8;
	[tilespmem:$0x1F400] =	vst v63  }
0x17: {  	_ = 	snop  }
0x18: {  	[tilespmem:s14], [sflag:$0x2] =	stream.indirect.gather [hbm4b:s3+s12], $0x80, s12, s12, $0xb8;
	[tilespmem:$0x1F400] =	vst v63  }
0x19: {  	_ = 	snop  }
0x1a: {  	[tilespmem:s16], [sflag:$0x3] =	stream.indirect.gather [hbm4b:s3+s12], $0x80, s15, s12, $0xb8;
	[tilespmem:$0x1F400] =	vst v63  }
0x1b: {  	_ =	swait.ge [sflag:s17], $0x6400  }
0x1c: {  	[sflag:s17] =	ssyncset.done $0x0  }
0x1d: {  	[sflag:s17] =	ssyncadd.s32 $0xFFFF9C00  }
0x1e: {  	[hbm4b:s5+s2] =	stream.linear.scatter [tilespmem:s13], [sflag:$0x5], $0x6400, $0x38;
	[tilespmem:$0x1F400] =	vst v63  }
0x1f: {  	_ = 	snop  }
0x20: {  	[tilespmem:s19], [sflag:$0x4] =	stream.indirect.gather [hbm4b:s3+s12], $0x80, s18, s12, $0xb8;
	[tilespmem:$0x1F400] =	vst v63  }
0x21: {  	_ =	swait.ge [sflag:s20], $0x6400  }
0x22: {  	[sflag:s20] =	ssyncset.done $0x0  }
0x23: {  	[sflag:s20] =	ssyncadd.s32 $0xFFFF9C00  }
0x24: {  	[hbm4b:s6+s2] =	stream.linear.scatter [tilespmem:s14], [sflag:$0x6], $0x6400, $0x38;
	[tilespmem:$0x1F400] =	vst v63  }
0x25: {  	_ =	swait.ge [sflag:s21], $0x6400  }
0x26: {  	[sflag:s21] =	ssyncset.done $0x0  }
0x27: {  	s29 =	simm.s32 $0x320;
	[sflag:s21] =	ssyncadd.s32 $0xFFFF9C00  }
0x28: {  	[tilespmem:s13], [sflag:$0x1] =	stream.indirect.gather [hbm4b:s3+s12], $0x80, s29, s12, $0xb8;
	[tilespmem:$0x1F400] =	vst v63  }
0x29: {  	_ =	swait.ge [sflag:s22], $0x6400  }
0x2a: {  	[sflag:s22] =	ssyncset.done $0x0  }
0x2b: {  	s29 =	sadd.s32 $0xFFFFF380, s10;
	[sflag:s22] =	ssyncadd.s32 $0xFFFF9C00  }
0x2c: {  	[hbm4b:s29+s2] =	stream.linear.scatter [tilespmem:s16], [sflag:$0x7], $0x6400, $0x38;
	[tilespmem:$0x1F400] =	vst v63  }
0x2d: {  	_ =	swait.ge [sflag:s23], $0x6400  }
0x2e: {  	[sflag:s23] =	ssyncset.done $0x0  }
0x2f: {  	s29 =	simm.s32 $0x3E8;
	[sflag:s23] =	ssyncadd.s32 $0xFFFF9C00  }
0x30: {  	[tilespmem:s14], [sflag:$0x2] =	stream.indirect.gather [hbm4b:s3+s12], $0x80, s29, s12, $0xb8;
	[tilespmem:$0x1F400] =	vst v63  }
0x31: {  	_ =	swait.ge [sflag:s24], $0x6400  }
0x32: {  	[sflag:s24] =	ssyncset.done $0x0  }
0x33: {  	[sflag:s24] =	ssyncadd.s32 $0xFFFF9C00  }
0x34: {  	[hbm4b:s10+s2] =	stream.linear.scatter [tilespmem:s19], [sflag:$0x8], $0x6400, $0x38;
	[tilespmem:$0x1F400] =	vst v63  }
0x35: {  	_ =	swait.ge [sflag:s25], $0x6400  }
0x36: {  	[sflag:s25] =	ssyncset.done $0x0  }
0x37: {  	s29 =	simm.s32 $0x4B0;
	[sflag:s25] =	ssyncadd.s32 $0xFFFF9C00  }
0x38: {  	[tilespmem:s16], [sflag:$0x3] =	stream.indirect.gather [hbm4b:s3+s12], $0x80, s29, s12, $0xb8;
	[tilespmem:$0x1F400] =	vst v63  }
0x39: {  	_ =	swait.ge [sflag:s17], $0x6400  }
0x3a: {  	[sflag:s17] =	ssyncset.done $0x0  }
0x3b: {  	s29 =	sadd.s32 $0xC80, s10;
	[sflag:s17] =	ssyncadd.s32 $0xFFFF9C00  }
0x3c: {  	[hbm4b:s29+s2] =	stream.linear.scatter [tilespmem:s13], [sflag:$0x5], $0x6400, $0x38;
	[tilespmem:$0x1F400] =	vst v63  }
0x3d: {  	_ =	swait.ge [sflag:s26], $0x6400  }
0x3e: {  	[sflag:s26] =	ssyncset.done $0x0  }
0x3f: {  	s29 =	simm.s32 $0x578;
	[sflag:s26] =	ssyncadd.s32 $0xFFFF9C00  }
0x40: {  	[tilespmem:s19], [sflag:$0x4] =	stream.indirect.gather [hbm4b:s3+s12], $0x80, s29, s12, $0xb8;
	[tilespmem:$0x1F400] =	vst v63  }
0x41: {  	_ =	swait.ge [sflag:s20], $0x6400  }
0x42: {  	s31 =	sadd.s32 $0x1900, s10;
	[sflag:s20] =	ssyncset.done $0x0  }
0x43: {  	s30 =	sadd.s32 $0x3200, s10;
	s29 =	simm.s32 $0xC80;
	[sflag:s20] =	ssyncadd.s32 $0xFFFF9C00  }
.LBB2_2:
0x44: {  	[hbm4b:s31+s2] =	stream.linear.scatter [tilespmem:s14], [sflag:$0x6], $0x6400, $0x38;
	[tilespmem:$0x1F400] =	vst v63  }
0x45: {  	s31 =	smov.u32 s29  }
0x46: {  	p0 =	sne.s32 s29, $0x17700;
	s29 =	sadd.s32 $0xC80, s29;
	_ =	swait.ge [sflag:s21], $0x6400  }
0x47: {  	s31 =	sshra.s32 s31, $0x2;
	[sflag:s21] =	ssyncset.done $0x0  }
0x48: {  	s1 =	sadd.s32 $0x320, s31;
	[sflag:s21] =	ssyncadd.s32 $0xFFFF9C00  }
0x49: {  	[tilespmem:s13], [sflag:$0x1] =	stream.indirect.gather [hbm4b:s3+s12], $0x80, s1, s12, $0xb8;
	[tilespmem:$0x1F400] =	vst v63  }
0x4a: {  	_ =	swait.ge [sflag:s22], $0x6400  }
0x4b: {  	[sflag:s22] =	ssyncset.done $0x0  }
0x4c: {  	s1 =	sadd.s32 $0xFFFFF380, s30;
	[sflag:s22] =	ssyncadd.s32 $0xFFFF9C00  }
0x4d: {  	[hbm4b:s1+s2] =	stream.linear.scatter [tilespmem:s16], [sflag:$0x7], $0x6400, $0x38;
	[tilespmem:$0x1F400] =	vst v63  }
0x4e: {  	_ =	swait.ge [sflag:s23], $0x6400  }
0x4f: {  	[sflag:s23] =	ssyncset.done $0x0  }
0x50: {  	s1 =	sadd.s32 $0x3E8, s31;
	[sflag:s23] =	ssyncadd.s32 $0xFFFF9C00  }
0x51: {  	[tilespmem:s14], [sflag:$0x2] =	stream.indirect.gather [hbm4b:s3+s12], $0x80, s1, s12, $0xb8;
	[tilespmem:$0x1F400] =	vst v63  }
0x52: {  	_ =	swait.ge [sflag:s24], $0x6400  }
0x53: {  	[sflag:s24] =	ssyncset.done $0x0  }
0x54: {  	[sflag:s24] =	ssyncadd.s32 $0xFFFF9C00  }
0x55: {  	[hbm4b:s30+s2] =	stream.linear.scatter [tilespmem:s19], [sflag:$0x8], $0x6400, $0x38;
	[tilespmem:$0x1F400] =	vst v63  }
0x56: {  	_ =	swait.ge [sflag:s25], $0x6400  }
0x57: {  	[sflag:s25] =	ssyncset.done $0x0  }
0x58: {  	s1 =	sadd.s32 $0x4B0, s31;
	[sflag:s25] =	ssyncadd.s32 $0xFFFF9C00  }
0x59: {  	[tilespmem:s16], [sflag:$0x3] =	stream.indirect.gather [hbm4b:s3+s12], $0x80, s1, s12, $0xb8;
	[tilespmem:$0x1F400] =	vst v63  }
0x5a: {  	_ =	swait.ge [sflag:s17], $0x6400  }
0x5b: {  	[sflag:s17] =	ssyncset.done $0x0  }
0x5c: {  	s1 =	sadd.s32 $0xC80, s30;
	[sflag:s17] =	ssyncadd.s32 $0xFFFF9C00  }
0x5d: {  	[hbm4b:s1+s2] =	stream.linear.scatter [tilespmem:s13], [sflag:$0x5], $0x6400, $0x38;
	[tilespmem:$0x1F400] =	vst v63  }
0x5e: {  	_ =	swait.ge [sflag:s26], $0x6400  }
0x5f: {  	[sflag:s26] =	ssyncset.done $0x0  }
.Ltmp0:
0x60: {  	s1 =	sadd.s32 $0x578, s31;
	[sflag:s26] =	ssyncadd.s32 $0xFFFF9C00;
	(pc) =	sbr.rel @p0 .LBB2_2-.Ltmp0, $4  }
0x61: {  	[tilespmem:s19], [sflag:$0x4] =	stream.indirect.gather [hbm4b:s3+s12], $0x80, s1, s12, $0xb8;
	[tilespmem:$0x1F400] =	vst v63  }
0x62: {  	_ =	swait.ge [sflag:s20], $0x6400  }
0x63: {  	[sflag:s20] =	ssyncset.done $0x0  }
0x64: {  	s31 =	sadd.s32 $0x1900, s30;
	s30 =	sadd.s32 $0x3200, s30;
	[sflag:s20] =	ssyncadd.s32 $0xFFFF9C00  }
0x65: {  	[hbm4b:s31+s2] =	stream.linear.scatter [tilespmem:s14], [sflag:$0x6], $0x6400, $0x38;
	[tilespmem:$0x1F400] =	vst v63  }
0x66: {  	_ =	swait.ge [sflag:s22], $0x6400  }
0x67: {  	[sflag:s22] =	ssyncset.done $0x0  }
0x68: {  	[sflag:s22] =	ssyncadd.s32 $0xFFFF9C00  }
0x69: {  	[hbm4b:s7+s2] =	stream.linear.scatter [tilespmem:s16], [sflag:$0x7], $0x6400, $0x38;
	[tilespmem:$0x1F400] =	vst v63  }
0x6a: {  	_ =	swait.ge [sflag:s24], $0x6400  }
0x6b: {  	[sflag:s24] =	ssyncset.done $0x0  }
0x6c: {  	[sflag:s24] =	ssyncadd.s32 $0xFFFF9C00  }
0x6d: {  	[hbm4b:s8+s2] =	stream.linear.scatter [tilespmem:s19], [sflag:$0x8], $0x6400, $0x38;
	[tilespmem:$0x1F400] =	vst v63  }
0x6e: {  	_ =	swait.ge [sflag:s21], $0x6400  }
0x6f: {  	[sflag:s21] =	ssyncset.done $0x0  }
0x70: {  	[sflag:s21] =	ssyncadd.s32 $0xFFFF9C00  }
0x71: {  	_ =	swait.ge [sflag:s23], $0x6400  }
0x72: {  	[sflag:s23] =	ssyncset.done $0x0  }
0x73: {  	s28 =	sadd.s32 $0x1, s28;
	[sflag:s23] =	ssyncadd.s32 $0xFFFF9C00  }
0x74: {  	p0 =	sne.s32 s28, s9;
	_ =	swait.ge [sflag:s25], $0x6400  }
.Ltmp1:
0x75: {  	[sflag:s25] =	ssyncset.done $0x0;
	(pc) =	sbr.rel @p0 .LBB2_1-.Ltmp1, $4  }
0x76: {  	[sflag:s25] =	ssyncadd.s32 $0xFFFF9C00  }
0x77: {  	_ =	swait.ge [sflag:s26], $0x6400  }
0x78: {  	[sflag:s26] =	ssyncset.done $0x0  }
0x79: {  	[sflag:s26] =	ssyncadd.s32 $0xFFFF9C00  }
0x7a: {  	_ =	sfence.sel $0x180000  }
0x7b: {  	[bflag:$0x0] =	sbarrier.arrive $0xFFFF  }
0x7c: {  	_ =	strace $0x90000047  }
0x7d: {  	[bflag:$0x2] =	sbarrier.arrive $0xFFFF  }
0x7e: {  	p0 =	sne.s32 s0, $0x0;
	s0 =	rddreg [dreg:$0x1]  }
0x7f: {  	s0 =	sadd.s32 @!p0 $0x100000, s0  }
0x80: {  	[sflag:s0] =	ssyncadd.tile.s32 @!p0 $0x1;
	_ =	shalt  }
.Lfunc_end2:
_tile_overlayer_lowered:
.L_overlay_start_2:
0x81: {  	(tag) =	ssettag $0x2  }
0x82: {  	s0 =	rddreg [dreg:$0x0];
	s2 =	stileid.u32  }
0x83: {  	s1 =	rddreg [dreg:$0x1];
	p0 =	sne.s32 s2, $0x0  }
0x84: {  	s3 =	rddreg [dreg:$0x2];
	[bflag:$0x3] =	sbarrier.arrive $0xFFFF;
	s2 =	simm.s32 @!p0 $0x1C09  }
0x85: {  	[timem:s3], [sflag:s2] =	dma.local @!p0 [hbm:s0], s1  }
0x86: {  	s0 =	simm.s32 @!p0 $0x9  }
0x87: {  	_ =	swait.ge @!p0 [sflag:s0], s1  }
0x88: {  	s1 =	ssub.s32 @!p0 $0x0, s1;
	[sflag:s0] =	ssyncset.done @!p0 $0x0  }
0x89: {  	[sflag:s0] =	ssyncadd.s32 @!p0 s1  }
0x8a: {  	[bflag:$0x3] =	sbarrier.arrive $0xFFFF  }
0x8b: {  	_ =	shalt  }

// kernel: sparse-core-data-format-call.cloned.1.call-start
scs
called_computation_lowered:
.L_overlay_start_0:
0x0: {  	s2 =	sld [smem:$0x3FD9]  }
0x1: {  	s3 =	sld [smem:$0x3FFE];
	_ =	sdelay $0x1  }
0x2: {  	s1 =	srdreg.scid  }
0x3: {  	s0 =	sand.u32 $0x1, s1  }
0x4: {  	s18 =	sshll.u32 s0, $0xA;
	s2 =	sadd.s32 s3, s2  }
0x5: {  	s2 =	sadd.s32 s2, s18  }
0x6: {  	[smem:$0x3FC6] =	sst s2  }
0x7: {  	_ = 	snop  }
0x8: {  	s2 =	sld [smem:$0x3FD0];
	(tm) =	ssettm $0x1  }
0x9: {  	s19 =	sld [smem:$0x3FFB];
	_ =	sdelay $0x3  }
0xa: {  	_ =	strace s19  }
0xb: {  	s3 =	sld [smem:$0x3FFC];
	_ =	sdelay $0x3  }
0xc: {  	_ =	strace s3  }
0xd: {  	s3 =	sld [smem:$0x3FFD];
	_ =	sdelay $0x3  }
0xe: {  	_ =	strace s3  }
0xf: {  	_ =	strace $0x8FFFFFFF  }
0x10: {  	s20 =	sld [smem:$0x3FDB];
	_ =	sdelay $0x1  }
0x11: {  	s4 =	simm.s32 $_scs_section_size  }
0x12: {  	s5 =	simm.s32 $_size__tile_overlayer_lowered;
	s6 =	simm.s32 $_tile_overlayer_lowered  }
0x13: {  	s23 =	simm.s32 $0x1BFF;
	s22 =	sshll.u32 s6, $0x1;
	s3 =	sadd.s32 s4, s20  }
0x14: {  	s7 =	simm.s32 $0x0;
	s21 =	sshll.u32 s5, $0x1;
	s5 =	sadd.s32 s22, s3  }
0x15: {  	[timem:s7], [sflag:s23] =	dma.local [hbm:s5], s21  }
0x16: {  	_ =	swait.ge [sflag:s23], s21  }
0x17: {  	s4 =	ssub.s32 $0x0, s21;
	[sflag:s23] =	ssyncset.done $0x0  }
0x18: {  	[sflag:s23] =	ssyncadd.s32 s4;
	_ =	sdelay $0x1  }
0x19: {  	s24 =	simm.s32 $0x1B8B  }
0x1a: {  	_ =	swait.ge [sflag:s24], $0x1  }
0x1b: {  	[sflag:s24] =	ssyncset.done $0x0  }
0x1c: {  	s26 =	simm.s32 $0x1B8E;
	s25 =	sld [smem:$0x3FFE];
	[sflag:s24] =	ssyncadd.s32 $0xFFFFFFFF  }
0x1d: {  	s27 =	simm.s32 $execute0_lowered;
	[smem:$0x3FD2] =	sst s26  }
0x1e: {  	s5 =	sshll.u32 s27, $0x1;
	_ =	strace $0x80000049;
	[dreg:$0x1] =	wrdreg $0xFFFFFFFF  }
0x1f: {  	s28 =	simm.s32 $_size_execute0_lowered;
	s3 =	sadd.s32 s3, s5;
	[dreg:$0x0] =	wrdreg $0x0  }
0x20: {  	s5 =	sshll.u32 s28, $0x1;
	[dreg:$0x2] =	wrdreg s3  }
0x21: {  	[dreg:$0x3] =	wrdreg s5  }
0x22: {  	[dreg:$0x4] =	wrdreg $0xC0  }
0x23: {  	_ =	task [dreg:s7], $0x5FFFF  }
0x24: {  	[dreg:$0x1] =	wrdreg $0xFFFFFFFF  }
0x25: {  	[dreg:$0x0] =	wrdreg $0x60  }
0x26: {  	[dreg:$0x2] =	wrdreg s25  }
0x27: {  	[dreg:$0x3] =	wrdreg s2  }
0x28: {  	[dreg:$0x4] =	wrdreg $0x9  }
0x29: {  	_ =	task.clear_ibuf [dreg:s7], $0x5FFFF;
	_ =	strace $0x90000049  }
0x2a: {  	s29 =	simm.s32 $0x9;
	_ =	strace $0x8000004B  }
0x2b: {  	_ =	swait.ge [sflag:s29], $0x1  }
0x2c: {  	[sflag:s29] =	ssyncadd.s32 $0xFFFFFFFF  }
0x2d: {  	_ =	strace $0x9000004B  }
0x2e: {  	_ =	sfence  }
0x2f: {  	s30 =	sld [smem:$0x0];
	_ =	sdelay $0x2  }
0x30: {  	s31 =	sshll.u32 s1, $0xD;
	s1 =	sshrl.u32 s1, $0x2  }
0x31: {  	s3 =	sand.u32 $0x4000, s31;
	s1 =	sadd.s32 s1, s30  }
0x32: {  	s0 =	sor.u32 s3, s0;
	s1 =	sshll.u32 s1, $0x11  }
0x33: {  	s0 =	sor.u32 s1, s0  }
0x34: {  	s0 =	sadd.s32 $0x8F2B, s0  }
0x35: {  	[sflag:s0] =	ssyncadd.remote.s32 $0x1  }
0x36: {  	_ =	sfence.sel $0xFFFF  }
0x37: {  	[dreg:$0x0] =	wrdreg $0xFFFFFFFF;
	(pc) =	sbr.abs _section_cstart, $3  }
0x38: {  	[dreg:$0x1] =	wrdreg $0xFFFFFFFF  }
0x39: {  	_ =	task.clear_ibuf [dreg:s7], $0x2FFFF;
	_ =	strace $0x9FFFFFFF  }
0x3a: {  	(tm) =	ssettm $0x7FFFFFFF  }
0x3b: {  	_ =	shalt  }
tec
execute0_lowered:
.L_overlay_start_1:
0x0: {  	(tag) =	ssettag $0x1  }
0x1: {  	s0 =	srdreg.scid  }
0x2: {  	s1 =	sshll.u32 s0, $0x4  }
0x3: {  	s6 =	rddreg [dreg:$0x0];
	s0 =	stileid.u32;
	s1 =	sand.u32 $0x10, s1  }
0x4: {  	s3 =	rddreg [dreg:$0x1];
	s1 =	sor.u32 s0, s1  }
0x5: {  	s5 =	simm.s32 $0x1;
	s31 =	simm.s32 $0x2;
	s2 =	sshll.u32 s1, $0x7  }
0x6: {  	s15 =	simm.s32 $0x0;
	s8 =	simm.s32 $0x8000;
	s4 =	ssub.s32 $0x1000, s2  }
0x7: {  	s14 =	simm.s32 $0x0;
	s9 =	simm.s32 $0x0;
	s30 =	sand.u32 $0xF80, s4  }
0x8: {  	s10 =	simm.s32 $0x0;
	s11 =	simm.s32 $0x0;
	p0 =	sne.s32 s30, $0x0  }
.Ltmp0:
0x9: {  	s7 =	sshrl.u32 s4, $0xC;
	s5 =	simm.s32 @!p0 $0x0;
	(pc) =	sbr.rel .LBB1_1-.Ltmp0, $4  }
0xa: {  	s13 =	simm.s32 $0x0;
	s1 =	rddreg [dreg:$0x2];
	s5 =	sadd.s32 s5, s7  }
0xb: {  	_ =	strace $0x8000004A;
	s4 =	simm.s32 $0x1;
	s5 =	smul.u32 $0xC8, s5  }
0xc: {  	s6 =	sadd.s32 $0x1A0200, s6;
	s12 =	smov.u32 s2;
	[sflag:s4] =	ssyncpa.u1 $0x0  }
0xd: {  	[sflag:s31] =	ssyncpa.u1 $0x0;
	p0 =	por $0x0, $0x0;
	s7 =	sor.u32 $0x1, s5  }
.LBB1_4:
0xe: {  	s20 =	sshra.s32 s20, $0x2;
	s28 =	sshll.u32 s10, $0x3;
	p1 =	sgt.s32 s9, $0xC7  }
0xf: {  	s21 =	smov.u32 s9;
	s23 =	sshra.s32 s9, $0x1F;
	s24 =	smov.u32 s10  }
0x10: {  	v5 =	vld [tilespmem:s17+$0xFFFFFFD0];
	[tilespmem:s18+$0x2040 ss:$0x81] =	vst.msk $0xffff, v4;
	s25 =	sshra.s32 s10, $0x1F;
	s26 =	sand.u32 $0x78, s10;
	s19 =	sadd.s32 s20, s19  }
0x11: {  	v58 =	vld [tilespmem:s17+$0xFFFFFFE0];
	[tilespmem:s18+$0x2850 ss:$0x81] =	vst.msk $0xffff, v3;
	s22 =	sshrl.u32 s28, $0xC;
	s21 =	simm.s32 @!p1 $0xC7;
	s23 =	sand.u32 s23, s9  }
0x12: {  	v59 =	vld [tilespmem:s17+$0xFFFFFFF0];
	[tilespmem:s18+$0x3060 ss:$0x81] =	vst.msk $0xffff, v2;
	p1 =	sgt.s32 s10, $0xF80;
	s29 =	sand.u32 s25, s10;
	s20 =	sand.u32 $0xC00, s28  }
0x13: {  	v60 =	vld [tilespmem:s17+$0x0];
	[tilespmem:s18+$0x0 ss:$0x81] =	vst.msk $0xffff, v0;
	s28 =	smul.u32 $0xC000, s9;
	s21 =	ssub.s32 s21, s23;
	s24 =	simm.s32 @!p1 $0xF80  }
0x14: {  	v61 =	vld [tilespmem:s17+$0x10];
	s30 =	smulhi.u32 $0x2AAAAAB, s22;
	[tilespmem:s19+$0x3870 ss:$0x81] =	vst.msk $0xffff, v1;
	s20 =	sor.u32 s26, s20;
	s31 =	ssub.s32 $0xC8, s21  }
0x15: {  	v62 =	vld [tilespmem:s17+$0x20];
	s23 =	ssub.s32 s24, s29;
	s21 =	sadd.s32 $0xFFFFFF39, s21;
	s25 =	smul.u32 $0x60, s31;
	[tilespmem:s19+$0x810 ss:$0x81] =	vst.msk $0xffff, v5  }
0x16: {  	v63 =	vld [tilespmem:s17+$0xFFFFFFC0];
	s18 =	smul.u32 $0x60, s30;
	p1 =	sgt.s32 s21, $0x0;
	s27 =	sadd.s32 $0xFFFFF080, s23;
	[tilespmem:s19+$0x1020 ss:$0x81] =	vst.msk $0xffff, v58  }
0x17: {  	s17 =	ssub.s32 $0x1000, s23;
	[tilespmem:s19+$0x1830 ss:$0x81] =	vst.msk $0xffff, v59;
	s25 =	simm.s32 @p1 $0x0;
	p1 =	sgt.s32 s27, $0x7F  }
0x18: {  	s29 =	sand.u32 $0x7, s10;
	[tilespmem:s19+$0x2040 ss:$0x81] =	vst.msk $0xffff, v60;
	s18 =	ssub.s32 s22, s18;
	s17 =	simm.s32 @p1 $0x0  }
0x19: {  	s21 =	sadd.s32 s3, s28;
	[tilespmem:s19+$0x2850 ss:$0x81] =	vst.msk $0xffff, v61;
	s18 =	sshll.u32 s18, $0x9;
	s17 =	smul.u32 s17, s25  }
0x1a: {  	s20 =	sshrl.u32 s20, $0x3;
	s30 =	sshll.u32 s29, $0x12;
	[tilespmem:s19+$0x3060 ss:$0x81] =	vst.msk $0xffff, v62;
	s18 =	sadd.s32 s18, s21  }
0x1b: {  	[tilespmem:s19+$0x0 ss:$0x81] =	vst.msk $0xffff, v63;
	s31 =	sor.u32 $0x400, s30;
	s18 =	sadd.s32 s20, s18;
	s17 =	sand.u32 $0x3FFFFFE0, s17  }
0x1c: {  	[hbm4b:s18+s31] =	stream.strided.scatter [tilespmem:s16], [sflag:$0x2], s17, s8, s31, $0x20;
	[tilespmem:$0x10100] =	vst v63  }
.LBB1_5:
0x1d: {  	p1 =	slt.u32 s13, $0x2  }
0x1e: {  	s17 =	smov.u32 s15;
	p2 =	sgt.s32 @!p1 s15, $0xC7;
	s16 =	sshra.s32 @!p1 s15, $0x1F  }
0x1f: {  	p3 =	sgt.s32 @!p1 s14, $0xF80;
	s18 =	sshra.s32 @!p1 s14, $0x1F;
	p2 =	por !p2, p1  }
0x20: {  	s15 =	sand.u32 @!p1 s16, s15;
	p3 =	por !p3, p1;
	s16 =	smov.u32 s14  }
0x21: {  	s14 =	sand.u32 @!p1 s18, s14;
	s17 =	simm.s32 @p2 $0xC7;
	s16 =	simm.s32 @p3 $0xF80  }
0x22: {  	s18 =	smov.u32 s12;
	s15 =	ssub.s32 @!p1 s17, s15;
	s14 =	ssub.s32 @!p1 s16, s14  }
0x23: {  	s16 =	sadd.s32 @!p1 $0xFFFFFF39, s15;
	s15 =	ssub.s32 @!p1 $0xC8, s15;
	s17 =	sadd.s32 @!p1 $0xFFFFF080, s14  }
0x24: {  	p2 =	sgt.s32 @!p1 s16, $0x0;
	s15 =	smul.u32 @!p1 $0x60, s15;
	p3 =	sgt.s32 @!p1 s17, $0x7F  }
0x25: {  	s14 =	ssub.s32 @!p1 $0x1000, s14;
	p2 =	por !p2, p1;
	p3 =	por !p3, p1  }
0x26: {  	s16 =	sadd.s32 $0x1, s11;
	s15 =	simm.s32 @!p2 $0x0;
	s14 =	simm.s32 @!p3 $0x0  }
0x27: {  	p2 =	sgt.s32 s16, $0xC7;
	s14 =	smul.u32 @!p1 s14, s15;
	s15 =	sadd.s32 $0x1000, s12  }
0x28: {  	s18 =	smov.u32 @p2 s15  }
0x29: {  	s16 =	simm.s32 @p2 $0x0;
	p2 =	sgt.s32 s18, $0xFFF  }
0x2a: {  	s18 =	smov.u32 @p2 s2;
	p2 =	sne.s32 s13, s7  }
.Ltmp1:
0x2b: {  	p0 =	por !p0, !p0;
	s17 =	simm.s32 @!p1 $0x2;
	(pc) =	sbr.rel @!p2 .LBB1_6-.Ltmp1, $4  }
0x2c: {  	s15 =	smov.u32 s9;
	s9 =	smov.u32 s11;
	s14 =	sand.u32 @!p1 $0x3FFFFFE0, s14  }
0x2d: {  	s11 =	smov.u32 s16;
	_ =	swait.ge @!p1 [sflag:s17], s14;
	s19 =	ssub.s32 @!p1 $0x0, s14  }
0x2e: {  	s14 =	smov.u32 s10;
	s13 =	sadd.s32 $0x1, s13;
	[sflag:s17] =	ssyncset.done @!p1 $0x0  }
0x2f: {  	s10 =	smov.u32 s12;
	s12 =	smov.u32 s18;
	[sflag:s17] =	ssyncadd.s32 @!p1 s19  }
.LBB1_1:
0x30: {  	p1 =	sge.u32 s13, s5  }
0x31: {  	s16 =	sand.u32 @!p1 $0x1FFFFFF, s11  }
0x32: {  	s17 =	smulhi.u32 @!p1 $0x147AE15, s16;
	_ =	sdelay $0x1  }
0x33: {  	s17 =	smul.u32 @!p1 $0xC8, s17  }
0x34: {  	s18 =	sxor.u32 @!p1 $0xFFFFFFFF, s13;
	s19 =	smul.u32 @!p1 $0xC80, s12  }
0x35: {  	s31 =	sadd.s32 $0xFFFFFFFF, s13;
	s18 =	sshll.u32 @!p1 s18, $0xE;
	s16 =	ssub.s32 @!p1 s16, s17  }
0x36: {  	s17 =	sand.u32 @!p1 $0x4000, s18;
	s18 =	sadd.s32 @!p1 s6, s19;
	s16 =	sshll.u32 @!p1 s16, $0x4  }
0x37: {  	s19 =	simm.s32 @!p1 $0x6400;
	s16 =	sadd.s32 @!p1 s16, s18;
	s18 =	simm.s32 @!p1 $0x80  }
0x38: {  	[tilespmem:s17], [sflag:$0x1] =	stream.strided.gather @!p1 [hbm4b:s16+s18], $0x4000, s19, s18, $0x38;
	[tilespmem:$0x10100] =	vst v63  }
0x39: {  	p1 =	sge.u32 s31, s5  }
.Ltmp2:
0x3a: {  	_ = 	snop;
	(pc) =	sbr.rel @p1 .LBB1_5-.Ltmp2, $1  }
0x3b: {  	_ =	sdelay $0x3  }
0x3c: {  	s16 =	simm.s32 $0x1  }
0x3d: {  	_ =	swait.ge [sflag:s4], $0x4000;
	s16 =	simm.s32 @!p0 $0x0  }
0x3e: {  	[sflag:s4] =	ssyncset.done $0x0;
	s17 =	sshll.u32 s16, $0xE  }
0x3f: {  	[sflag:s4] =	ssyncadd.s32 $0xFFFFC000;
	s17 =	sor.u32 $0x40, s17  }
0x40: {  	s16 =	smul.u32 $0x10200, s16;
	v0 =	vld [tilespmem:s17+$0x30]  }
0x41: {  	v1 =	vld [tilespmem:s17+$0xFFFFFFD0]  }
0x42: {  	s16 =	sshrl.u32 s16, $0x2;
	v5 =	vld [tilespmem:s17+$0xFFFFFFE0]  }
0x43: {  	v6 =	vld [tilespmem:s17+$0xFFFFFFF0];
	s19 =	sor.u32 $0x8000, s16  }
0x44: {  	s31 =	sand.u32 $0x1, s13;
	v4 =	vld [tilespmem:s17+$0x0];
	s18 =	sadd.s32 $0x0, s19  }
0x45: {  	v3 =	vld [tilespmem:s17+$0x10];
	s16 =	smul.u32 $0x10200, s31;
	[tilespmem:s18+$0x3870 ss:$0x81] =	vst.msk $0xffff, v0  }
0x46: {  	v2 =	vld [tilespmem:s17+$0x20];
	[tilespmem:s18+$0x810 ss:$0x81] =	vst.msk $0xffff, v1  }
0x47: {  	s16 =	sshrl.u32 s16, $0x2;
	v0 =	vld [tilespmem:s17+$0xFFFFFFC0];
	[tilespmem:s18+$0x1020 ss:$0x81] =	vst.msk $0xffff, v5;
	s17 =	sadd.s32 $0x80, s17  }
0x48: {  	s20 =	simm.s32 $0x4;
	s21 =	simm.s32 $0x8;
	s16 =	sor.u32 $0x8000, s16;
	[tilespmem:s18+$0x1830 ss:$0x81] =	vst.msk $0xffff, v6;
	v1 =	vld [tilespmem:s17+$0x30]  }
.LBB1_3:
0x49: {  	p1 =	sne.s32 s21, $0x1FC;
	v5 =	vld [tilespmem:s17+$0xFFFFFFD0];
	[tilespmem:s18+$0x2040 ss:$0x81] =	vst.msk $0xffff, v4  }
0x4a: {  	v6 =	vld [tilespmem:s17+$0xFFFFFFE0];
	[tilespmem:s18+$0x2850 ss:$0x81] =	vst.msk $0xffff, v3  }
0x4b: {  	s22 =	sshra.s32 s20, $0x2;
	s20 =	smov.u32 s21;
	v7 =	vld [tilespmem:s17+$0xFFFFFFF0];
	[tilespmem:s18+$0x3060 ss:$0x81] =	vst.msk $0xffff, v2  }
.Ltmp3:
0x4c: {  	v4 =	vld [tilespmem:s17+$0x0];
	[tilespmem:s18+$0x0 ss:$0x81] =	vst.msk $0xffff, v0;
	s18 =	sadd.s32 s22, s19;
	(pc) =	sbr.rel @p1 .LBB1_3-.Ltmp3, $4  }
0x4d: {  	v3 =	vld [tilespmem:s17+$0x10];
	[tilespmem:s18+$0x3870 ss:$0x81] =	vst.msk $0xffff, v1  }
0x4e: {  	[tilespmem:s18+$0x810 ss:$0x81] =	vst.msk $0xffff, v5;
	v2 =	vld [tilespmem:s17+$0x20]  }
0x4f: {  	v0 =	vld [tilespmem:s17+$0xFFFFFFC0];
	[tilespmem:s18+$0x1020 ss:$0x81] =	vst.msk $0xffff, v6;
	s17 =	sadd.s32 $0x80, s17  }
0x50: {  	s21 =	sadd.s32 $0x4, s21;
	v1 =	vld [tilespmem:s17+$0x30];
	[tilespmem:s18+$0x1830 ss:$0x81] =	vst.msk $0xffff, v7  }
.Ltmp4:
0x51: {  	_ = 	snop;
	(pc) =	sbr.rel .LBB1_4-.Ltmp4, $1  }
0x52: {  	_ =	sdelay $0x3  }
.LBB1_6:
0x53: {  	_ =	sfence.sel $0x180000  }
0x54: {  	s2 =	simm.s32 $0x1;
	[bflag:$0x0] =	sbarrier.arrive $0xFFFF  }
0x55: {  	s31 =	simm.s32 $0x2;
	[sflag:s2] =	ssyncpa.u1 $0x1  }
0x56: {  	[sflag:s31] =	ssyncpa.u1 $0x1  }
0x57: {  	p0 =	sne.s32 s0, $0x0;
	_ =	strace $0x9000004A  }
0x58: {  	s0 =	sadd.s32 @!p0 $0x100000, s1;
	[bflag:$0x2] =	sbarrier.arrive $0xFFFF  }
0x59: {  	[sflag:s0] =	ssyncadd.tile.s32 @!p0 $0x1;
	_ =	shalt  }
.Lfunc_end1:
_tile_overlayer_lowered:
.L_overlay_start_2:
0x5a: {  	(tag) =	ssettag $0x2  }
0x5b: {  	s0 =	rddreg [dreg:$0x0];
	s2 =	stileid.u32  }
0x5c: {  	s1 =	rddreg [dreg:$0x1];
	p0 =	sne.s32 s2, $0x0  }
0x5d: {  	s3 =	rddreg [dreg:$0x2];
	[bflag:$0x3] =	sbarrier.arrive $0xFFFF;
	s2 =	simm.s32 @!p0 $0x1C01  }
0x5e: {  	[timem:s3], [sflag:s2] =	dma.local @!p0 [hbm:s0], s1  }
0x5f: {  	s0 =	simm.s32 @!p0 $0x1  }
0x60: {  	_ =	swait.ge @!p0 [sflag:s0], s1  }
0x61: {  	s1 =	ssub.s32 @!p0 $0x0, s1;
	[sflag:s0] =	ssyncset.done @!p0 $0x0  }
0x62: {  	[sflag:s0] =	ssyncadd.s32 @!p0 s1  }
0x63: {  	[bflag:$0x3] =	sbarrier.arrive $0xFFFF  }
0x64: {  	_ =	shalt  }

</sc_bundles>
